<compile_context>
chip_gen: v7x
topology: tpu7x:2x2x1
jax: 0.10.2.dev20260603
libtpu: 0.0.44.dev20260713+nightly
codegen_flags: <defaults>
</compile_context>

<pallas_src>
import jax
import jax.numpy as jnp
from jax import lax
from jax.experimental import pallas as pl
from jax.experimental.pallas import tpu as pltpu
from jax.experimental.pallas import tpu_sc as plsc

H = 256
W = 256
HW = H * W
B = 2
N = 120000

NUM_SUBCORES = 16
NPT = N // NUM_SUBCORES
CHUNK = 7504
N_GROUPS = CHUNK // 16
SPT = 8 * HW // NUM_SUBCORES

P_BLK = 8192


def _vox_body(pc_ref, zeros_ref, grid_ref, x_v, y_v, z_v,
              idx_x, idx_y, idx_z, S, sem_x, sem_y, sem_z):
    c = lax.axis_index("c")
    s = lax.axis_index("s")
    r = (s * NPT) % 8
    w0 = pl.multiple_of(s * NPT - r, 8)
    cpx = pltpu.async_copy(pc_ref.at[c, 0, pl.ds(w0, CHUNK)], x_v, sem_x)
    cpy = pltpu.async_copy(pc_ref.at[c, 1, pl.ds(w0, CHUNK)], y_v, sem_y)
    cpz = pltpu.async_copy(pc_ref.at[c, 2, pl.ds(w0, CHUNK)], z_v, sem_z)
    cpx.wait()
    cpy.wait()
    cpz.wait()
    lanes = lax.iota(jnp.int32, 16)
    zero16 = jnp.zeros((16,), jnp.float32)
    head_m = lanes < r
    x_v[pl.ds(0, 16)] = jnp.where(head_m, zero16, x_v[pl.ds(0, 16)])
    y_v[pl.ds(0, 16)] = jnp.where(head_m, zero16, y_v[pl.ds(0, 16)])
    z_v[pl.ds(0, 16)] = jnp.where(head_m, zero16, z_v[pl.ds(0, 16)])
    tail_m = lanes >= (NPT + r - (CHUNK - 16))
    tb = CHUNK - 16
    x_v[pl.ds(tb, 16)] = jnp.where(tail_m, zero16, x_v[pl.ds(tb, 16)])
    y_v[pl.ds(tb, 16)] = jnp.where(tail_m, zero16, y_v[pl.ds(tb, 16)])
    z_v[pl.ds(tb, 16)] = jnp.where(tail_m, zero16, z_v[pl.ds(tb, 16)])
    pltpu.sync_copy(zeros_ref, S.at[pl.ds(s * SPT, SPT)])

    plsc.subcore_barrier()

    @plsc.parallel_loop(0, N_GROUPS, unroll=8)
    def group(g):
        b = g * 16
        xv = x_v[pl.ds(b, 16)]
        yv = y_v[pl.ds(b, 16)]
        ix = (xv * float(W)).astype(jnp.int32)
        iy = (yv * float(H)).astype(jnp.int32)
        q = iy * W + ix
        pos = ((q >> 7) << 10) + (q & 127)
        idx_x[pl.ds(b, 16)] = pos
        idx_y[pl.ds(b, 16)] = pos + 128
        idx_z[pl.ds(b, 16)] = pos + 256

    scx = pltpu.async_copy(x_v, S.at[idx_x], sem_x, add=True)
    scy = pltpu.async_copy(y_v, S.at[idx_y], sem_y, add=True)
    scz = pltpu.async_copy(z_v, S.at[idx_z], sem_z, add=True)
    scx.wait()
    scy.wait()
    scz.wait()
    plsc.subcore_barrier()
    pltpu.sync_copy(S.at[pl.ds(s * SPT, SPT)],
                    grid_ref.at[pl.ds(c * (8 * HW) + s * SPT, SPT)])


_voxelize = pl.kernel(
    _vox_body,
    out_type=jax.ShapeDtypeStruct((B * 8 * HW,), jnp.float32),
    mesh=plsc.VectorSubcoreMesh(core_axis_name="c", subcore_axis_name="s"),
    compiler_params=pltpu.CompilerParams(use_tc_tiling_on_sc=False),
    scratch_types=[
        pltpu.VMEM((CHUNK,), jnp.float32),
        pltpu.VMEM((CHUNK,), jnp.float32),
        pltpu.VMEM((CHUNK,), jnp.float32),
        pltpu.VMEM((CHUNK,), jnp.int32),
        pltpu.VMEM((CHUNK,), jnp.int32),
        pltpu.VMEM((CHUNK,), jnp.int32),
        pltpu.VMEM_SHARED((8 * HW,), jnp.float32),
        pltpu.SemaphoreType.DMA,
        pltpu.SemaphoreType.DMA,
        pltpu.SemaphoreType.DMA,
    ],
)


def _mlp_body(g_ref, w1_ref, b1_ref, w2_ref, b2_ref, w3_ref, b3_ref, o_ref):
    g4 = g_ref[0]
    w1p = w1_ref[...]
    parts = []
    for j in range(P_BLK // 128):
        parts.append(lax.dot_general(w1p, g4[j], (((0,), (0,)), ((), ())),
                                     preferred_element_type=jnp.float32))
    e = jnp.concatenate(parts, axis=1)
    e = jnp.maximum(e + b1_ref[...], 0.0)
    h = lax.dot_general(w2_ref[...], e, (((0,), (0,)), ((), ())),
                        preferred_element_type=jnp.float32)
    h = jnp.maximum(h + b2_ref[...], 0.0)
    o = lax.dot_general(w3_ref[...], h, (((0,), (0,)), ((), ())),
                        preferred_element_type=jnp.float32)
    o = o + b3_ref[...]
    o_ref[0] = o.reshape(128, P_BLK // W, W)


def _mlp(grid3, w1r, b1c, w2, b2c, w3, b3c):
    nblk = HW // P_BLK
    return pl.pallas_call(
        _mlp_body,
        grid=(B, nblk),
        in_specs=[
            pl.BlockSpec((1, P_BLK // 128, 8, 128), lambda b, p: (b, p, 0, 0)),
            pl.BlockSpec((8, 64), lambda b, p: (0, 0)),
            pl.BlockSpec((64, 1), lambda b, p: (0, 0)),
            pl.BlockSpec((64, 128), lambda b, p: (0, 0)),
            pl.BlockSpec((128, 1), lambda b, p: (0, 0)),
            pl.BlockSpec((128, 128), lambda b, p: (0, 0)),
            pl.BlockSpec((128, 1), lambda b, p: (0, 0)),
        ],
        out_specs=pl.BlockSpec((1, 128, P_BLK // W, W), lambda b, p: (b, 0, p, 0)),
        out_shape=jax.ShapeDtypeStruct((B, 128, H, W), jnp.float32),
        compiler_params=pltpu.CompilerParams(
            dimension_semantics=("parallel", "parallel")),
    )(grid3, w1r, b1c, w2, b2c, w3, b3c)


@jax.jit
def kernel(pc, W_enc, b_enc, W_p1, b_p1, W_p2, b_p2):
    zeros = jnp.zeros((SPT,), jnp.float32)
    grid4 = _voxelize(pc, zeros).reshape(B, HW // 128, 8, 128)

    w1p = jnp.zeros((8, 64), jnp.float32).at[:3].set(W_enc[::-1])
    return _mlp(grid4, w1p, b_enc[:, None], W_p1, b_p1[:, None],
                W_p2, b_p2[:, None])

# --- scband reference (transcript-rebuilt; emitter-appended) ---
"""Pipeline reference for scband-lidar2-bev-45981919871111 (READ-ONLY COPY).

The authoritative reference and input builder live on the scoring server;
editing this copy changes nothing except your own understanding.
"""

import jax, jax.numpy as jnp
import numpy as np

# BEV grid config (vsize_xyz implied: 1/256 x 1/256 x 1.0 over coors_range [0,1]^3)
H = 256
W = 256
C_ENC = 64
PROJ_HID = 128
PROJ_DIM = 128


def setup_inputs(seed: int = 0) -> dict:
    key = jax.random.key(seed)
    k1, k2, k3, k4 = jax.random.split(key, 4)
    # pc: (B, C=3, N) lidar points, coordinates in [0, 1) so every point is in coors_range
    pc = jax.random.uniform(k1, (2, 3, 120000), dtype=jnp.float32)
    # learned parameters (SparseEncoder dense stage + ProjectionHead MLP)
    W_enc = (jax.random.normal(k2, (3, C_ENC), dtype=jnp.float32) / np.sqrt(3.0)).astype(jnp.float32)
    b_enc = jnp.zeros((C_ENC,), dtype=jnp.float32)
    W_p1 = (jax.random.normal(k3, (C_ENC, PROJ_HID), dtype=jnp.float32) / np.sqrt(float(C_ENC))).astype(jnp.float32)
    b_p1 = jnp.zeros((PROJ_HID,), dtype=jnp.float32)
    W_p2 = (jax.random.normal(k4, (PROJ_HID, PROJ_DIM), dtype=jnp.float32) / np.sqrt(float(PROJ_HID))).astype(jnp.float32)
    b_p2 = jnp.zeros((PROJ_DIM,), dtype=jnp.float32)
    return {"pc": pc, "W_enc": W_enc, "b_enc": b_enc, "W_p1": W_p1, "b_p1": b_p1, "W_p2": W_p2, "b_p2": b_p2}


def reference(pc, W_enc, b_enc, W_p1, b_p1, W_p2, b_p2):
    # pc: (B, 3, N) -> points (B, N, 3)
    B, C, N = pc.shape
    pts = jnp.transpose(pc, (0, 2, 1))
    # --- voxelize (histogram binning) with voxelize_reduce=True (sum per voxel) ---
    vx = 1.0 / W
    vy = 1.0 / H
    ix = jnp.clip(jnp.floor(pts[..., 0] / vx).astype(jnp.int32), 0, W - 1)
    iy = jnp.clip(jnp.floor(pts[..., 1] / vy).astype(jnp.int32), 0, H - 1)
    b_idx = jnp.broadcast_to(jnp.arange(B, dtype=jnp.int32)[:, None], (B, N))
    grid = jnp.zeros((B, H, W, 3), dtype=jnp.float32)
    grid = grid.at[b_idx.reshape(-1), iy.reshape(-1), ix.reshape(-1)].add(pts.reshape(-1, 3))
    # voxelize() is wrapped in torch.no_grad() in the original module
    grid = jax.lax.stop_gradient(grid)
    # feature reorder: forward splits vox columns as (z, y, x) and re-cats as (c, x, y, z)
    feat = grid[..., ::-1]
    # --- SparseEncoder (dense BEV stage) ---
    enc = jax.nn.relu(feat @ W_enc + b_enc)  # (B, H, W, C_ENC)
    # --- flatten to (B*H*W, C) then ProjectionHead MLP ---
    flat = enc.reshape(B * H * W, C_ENC)
    h = jax.nn.relu(flat @ W_p1 + b_p1)
    out = flat_out = h @ W_p2 + b_p2
    out = out.reshape(B, H, W, PROJ_DIM)
    out = jnp.transpose(out, (0, 3, 1, 2))  # (B, C, H, W)
    return out

if __name__ == "__main__":
    import jax
    _d = setup_inputs()
    print(jax.jit(kernel)(*tuple(_d.values())))

</pallas_src>

<mosaic_0001>
#map = affine_map<(d0, d1) -> (0, 0, 0)>
#map1 = affine_map<(d0, d1) -> (0)>
module attributes {stable_mosaic.version = 14 : i64} {
  func.func @_vox_body(%arg0: i32, %arg1: i32, %arg2: memref<2x3x120000xf32, #tpu.memory_space<hbm>>, %arg3: memref<32768xf32, #tpu.memory_space<hbm>>, %arg4: memref<1048576xf32, #tpu.memory_space<hbm>>, %arg5: memref<7504xf32, #tpu.memory_space<vmem>>, %arg6: memref<7504xf32, #tpu.memory_space<vmem>>, %arg7: memref<7504xf32, #tpu.memory_space<vmem>>, %arg8: memref<7504xi32, #tpu.memory_space<vmem>>, %arg9: memref<7504xi32, #tpu.memory_space<vmem>>, %arg10: memref<7504xi32, #tpu.memory_space<vmem>>, %arg11: memref<524288xf32, #tpu.memory_space<vmem_shared>>, %arg12: memref<!tpu.dma_semaphore, #tpu.memory_space<semaphore_mem>>, %arg13: memref<!tpu.dma_semaphore, #tpu.memory_space<semaphore_mem>>, %arg14: memref<!tpu.dma_semaphore, #tpu.memory_space<semaphore_mem>>) attributes {dimension_semantics = [#tpu.dimension_semantics<core_parallel>, #tpu.dimension_semantics<subcore_parallel>], iteration_bounds = array<i64: 2, 16>, scalar_prefetch = 0 : i64, scratch_operands = 10 : i64, tpu.core_type = #tpu.core_type<sc_vector_subcore>, window_params = [{transform_indices = #map}, {transform_indices = #map1}, {transform_indices = #map1}]} {
    %mul3A = arith.constant 7500 : i32
    %mul3A_0 = arith.muli %arg1, %mul3A : i32
    %jit3A = arith.constant 8 : i32
    %eq3A = arith.constant 0 : i32
    %eq3A_1 = arith.cmpi eq, %jit3A, %eq3A : i32
    %jit3A_2 = arith.constant 1 : i32
    %select_n3A = arith.select %eq3A_1, %jit3A_2, %jit3A : i32
    %rem3A = arith.remsi %mul3A_0, %select_n3A : i32
    %ne3A = arith.constant 0 : i32
    %ne3A_3 = arith.cmpi ne, %rem3A, %ne3A : i32
    %lt3A = arith.constant 0 : i32
    %lt3A_4 = arith.cmpi slt, %rem3A, %lt3A : i32
    %lt3A_5 = arith.constant 0 : i32
    %lt3A_6 = arith.cmpi slt, %select_n3A, %lt3A_5 : i32
    %ne3A_7 = arith.xori %lt3A_4, %lt3A_6 : i1
    %and3A = arith.andi %ne3A_7, %ne3A_3 : i1
    %add3A = arith.addi %rem3A, %select_n3A : i32
    %select_n3A_8 = arith.select %and3A, %add3A, %rem3A : i32
    %mul3A_9 = arith.constant 7500 : i32
    %mul3A_10 = arith.muli %arg1, %mul3A_9 : i32
    %sub3A = arith.subi %mul3A_10, %select_n3A_8 : i32
    %multiple_of3A = tpu.assume_multiple %sub3A, 8 : i32
    %dma_start3A = arith.constant 0 : i32
    %dma_start3A_11 = tpu.memref_slice %arg2[%arg0, %dma_start3A, %multiple_of3A] : memref<2x3x120000xf32, #tpu.memory_space<hbm>> -> memref<1x1x7504xf32, #tpu.memory_space<hbm>>
    %dma_start3A_12 = tpu.memref_squeeze %dma_start3A_11 : memref<1x1x7504xf32, #tpu.memory_space<hbm>> -> memref<7504xf32, #tpu.memory_space<hbm>>
    %dma_start3A_13 = tpu.memref_slice %arg2[%arg0, %dma_start3A, %multiple_of3A] : memref<2x3x120000xf32, #tpu.memory_space<hbm>> -> memref<1x1x7504xf32, #tpu.memory_space<hbm>>
    %dma_start3A_14 = tpu.memref_squeeze %dma_start3A_13 : memref<1x1x7504xf32, #tpu.memory_space<hbm>> -> memref<7504xf32, #tpu.memory_space<hbm>>
    tpu.enqueue_dma source(%dma_start3A_14 : memref<7504xf32, #tpu.memory_space<hbm>>) target(%arg5 : memref<7504xf32, #tpu.memory_space<vmem>>) target_semaphore(%arg12 : memref<!tpu.dma_semaphore, #tpu.memory_space<semaphore_mem>>)
    %dma_start3A_15 = arith.constant 1 : i32
    %dma_start3A_16 = tpu.memref_slice %arg2[%arg0, %dma_start3A_15, %multiple_of3A] : memref<2x3x120000xf32, #tpu.memory_space<hbm>> -> memref<1x1x7504xf32, #tpu.memory_space<hbm>>
    %dma_start3A_17 = tpu.memref_squeeze %dma_start3A_16 : memref<1x1x7504xf32, #tpu.memory_space<hbm>> -> memref<7504xf32, #tpu.memory_space<hbm>>
    %dma_start3A_18 = tpu.memref_slice %arg2[%arg0, %dma_start3A_15, %multiple_of3A] : memref<2x3x120000xf32, #tpu.memory_space<hbm>> -> memref<1x1x7504xf32, #tpu.memory_space<hbm>>
    %dma_start3A_19 = tpu.memref_squeeze %dma_start3A_18 : memref<1x1x7504xf32, #tpu.memory_space<hbm>> -> memref<7504xf32, #tpu.memory_space<hbm>>
    tpu.enqueue_dma source(%dma_start3A_19 : memref<7504xf32, #tpu.memory_space<hbm>>) target(%arg6 : memref<7504xf32, #tpu.memory_space<vmem>>) target_semaphore(%arg13 : memref<!tpu.dma_semaphore, #tpu.memory_space<semaphore_mem>>)
    %dma_start3A_20 = arith.constant 2 : i32
    %dma_start3A_21 = tpu.memref_slice %arg2[%arg0, %dma_start3A_20, %multiple_of3A] : memref<2x3x120000xf32, #tpu.memory_space<hbm>> -> memref<1x1x7504xf32, #tpu.memory_space<hbm>>
    %dma_start3A_22 = tpu.memref_squeeze %dma_start3A_21 : memref<1x1x7504xf32, #tpu.memory_space<hbm>> -> memref<7504xf32, #tpu.memory_space<hbm>>
    %dma_start3A_23 = tpu.memref_slice %arg2[%arg0, %dma_start3A_20, %multiple_of3A] : memref<2x3x120000xf32, #tpu.memory_space<hbm>> -> memref<1x1x7504xf32, #tpu.memory_space<hbm>>
    %dma_start3A_24 = tpu.memref_squeeze %dma_start3A_23 : memref<1x1x7504xf32, #tpu.memory_space<hbm>> -> memref<7504xf32, #tpu.memory_space<hbm>>
    tpu.enqueue_dma source(%dma_start3A_24 : memref<7504xf32, #tpu.memory_space<hbm>>) target(%arg7 : memref<7504xf32, #tpu.memory_space<vmem>>) target_semaphore(%arg14 : memref<!tpu.dma_semaphore, #tpu.memory_space<semaphore_mem>>)
    %dma_wait3A = arith.constant 0 : i32
    %dma_wait3A_25 = tpu.memref_slice %arg2[%arg0, %dma_wait3A, %multiple_of3A] : memref<2x3x120000xf32, #tpu.memory_space<hbm>> -> memref<1x1x7504xf32, #tpu.memory_space<hbm>>
    %dma_wait3A_26 = tpu.memref_squeeze %dma_wait3A_25 : memref<1x1x7504xf32, #tpu.memory_space<hbm>> -> memref<7504xf32, #tpu.memory_space<hbm>>
    %dma_wait3A_27 = tpu.memref_slice %arg2[%arg0, %dma_wait3A, %multiple_of3A] : memref<2x3x120000xf32, #tpu.memory_space<hbm>> -> memref<1x1x7504xf32, #tpu.memory_space<hbm>>
    %dma_wait3A_28 = tpu.memref_squeeze %dma_wait3A_27 : memref<1x1x7504xf32, #tpu.memory_space<hbm>> -> memref<7504xf32, #tpu.memory_space<hbm>>
    tpu.wait_dma2 semaphore(%arg12 : memref<!tpu.dma_semaphore, #tpu.memory_space<semaphore_mem>>) src(%dma_wait3A_28 : memref<7504xf32, #tpu.memory_space<hbm>>) dst(%arg5 : memref<7504xf32, #tpu.memory_space<vmem>>)
    %dma_wait3A_29 = arith.constant 1 : i32
    %dma_wait3A_30 = tpu.memref_slice %arg2[%arg0, %dma_wait3A_29, %multiple_of3A] : memref<2x3x120000xf32, #tpu.memory_space<hbm>> -> memref<1x1x7504xf32, #tpu.memory_space<hbm>>
    %dma_wait3A_31 = tpu.memref_squeeze %dma_wait3A_30 : memref<1x1x7504xf32, #tpu.memory_space<hbm>> -> memref<7504xf32, #tpu.memory_space<hbm>>
    %dma_wait3A_32 = tpu.memref_slice %arg2[%arg0, %dma_wait3A_29, %multiple_of3A] : memref<2x3x120000xf32, #tpu.memory_space<hbm>> -> memref<1x1x7504xf32, #tpu.memory_space<hbm>>
    %dma_wait3A_33 = tpu.memref_squeeze %dma_wait3A_32 : memref<1x1x7504xf32, #tpu.memory_space<hbm>> -> memref<7504xf32, #tpu.memory_space<hbm>>
    tpu.wait_dma2 semaphore(%arg13 : memref<!tpu.dma_semaphore, #tpu.memory_space<semaphore_mem>>) src(%dma_wait3A_33 : memref<7504xf32, #tpu.memory_space<hbm>>) dst(%arg6 : memref<7504xf32, #tpu.memory_space<vmem>>)
    %dma_wait3A_34 = arith.constant 2 : i32
    %dma_wait3A_35 = tpu.memref_slice %arg2[%arg0, %dma_wait3A_34, %multiple_of3A] : memref<2x3x120000xf32, #tpu.memory_space<hbm>> -> memref<1x1x7504xf32, #tpu.memory_space<hbm>>
    %dma_wait3A_36 = tpu.memref_squeeze %dma_wait3A_35 : memref<1x1x7504xf32, #tpu.memory_space<hbm>> -> memref<7504xf32, #tpu.memory_space<hbm>>
    %dma_wait3A_37 = tpu.memref_slice %arg2[%arg0, %dma_wait3A_34, %multiple_of3A] : memref<2x3x120000xf32, #tpu.memory_space<hbm>> -> memref<1x1x7504xf32, #tpu.memory_space<hbm>>
    %dma_wait3A_38 = tpu.memref_squeeze %dma_wait3A_37 : memref<1x1x7504xf32, #tpu.memory_space<hbm>> -> memref<7504xf32, #tpu.memory_space<hbm>>
    tpu.wait_dma2 semaphore(%arg14 : memref<!tpu.dma_semaphore, #tpu.memory_space<semaphore_mem>>) src(%dma_wait3A_38 : memref<7504xf32, #tpu.memory_space<hbm>>) dst(%arg7 : memref<7504xf32, #tpu.memory_space<vmem>>)
    %iota3A = tpu.iota {dimensions = array<i32: 0>} : vector<16xi32>
    %broadcast_in_dim3A = arith.constant 0.000000e+00 : f32
    %broadcast_in_dim3A_39 = vector.broadcast %broadcast_in_dim3A : f32 to vector<16xf32>
    %lt3A_40 = vector.broadcast %select_n3A_8 : i32 to vector<16xi32>
    %lt3A_41 = arith.cmpi slt, %iota3A, %lt3A_40 : vector<16xi32>
    %get3A = arith.constant 0 : index
    %get3A_42 = tpu.vector_load %arg5[%get3A] {strides = array<i32>} : memref<7504xf32, #tpu.memory_space<vmem>>, vector<16xf32>,
    %get3A_43 = vector.shape_cast %get3A_42 : vector<16xf32> to vector<16xf32>
    %select_n3A_44 = arith.select %lt3A_41, %broadcast_in_dim3A_39, %get3A_43 : vector<16xi1>, vector<16xf32>
    %swap3A = arith.constant 0 : index
    %swap3A_45 = tpu.vector_load %arg5[%swap3A] {strides = array<i32>} : memref<7504xf32, #tpu.memory_space<vmem>>, vector<16xf32>,
    %swap3A_46 = vector.shape_cast %swap3A_45 : vector<16xf32> to vector<16xf32>
    %swap3A_47 = vector.shape_cast %select_n3A_44 : vector<16xf32> to vector<16xf32>
    tpu.vector_store %arg5[%swap3A], %swap3A_47 {strides = array<i32>} : memref<7504xf32, #tpu.memory_space<vmem>>, vector<16xf32>,
    %get3A_48 = arith.constant 0 : index
    %get3A_49 = tpu.vector_load %arg6[%get3A_48] {strides = array<i32>} : memref<7504xf32, #tpu.memory_space<vmem>>, vector<16xf32>,
    %get3A_50 = vector.shape_cast %get3A_49 : vector<16xf32> to vector<16xf32>
    %select_n3A_51 = arith.select %lt3A_41, %broadcast_in_dim3A_39, %get3A_50 : vector<16xi1>, vector<16xf32>
    %swap3A_52 = arith.constant 0 : index
    %swap3A_53 = tpu.vector_load %arg6[%swap3A_52] {strides = array<i32>} : memref<7504xf32, #tpu.memory_space<vmem>>, vector<16xf32>,
    %swap3A_54 = vector.shape_cast %swap3A_53 : vector<16xf32> to vector<16xf32>
    %swap3A_55 = vector.shape_cast %select_n3A_51 : vector<16xf32> to vector<16xf32>
    tpu.vector_store %arg6[%swap3A_52], %swap3A_55 {strides = array<i32>} : memref<7504xf32, #tpu.memory_space<vmem>>, vector<16xf32>,
    %get3A_56 = arith.constant 0 : index
    %get3A_57 = tpu.vector_load %arg7[%get3A_56] {strides = array<i32>} : memref<7504xf32, #tpu.memory_space<vmem>>, vector<16xf32>,
    %get3A_58 = vector.shape_cast %get3A_57 : vector<16xf32> to vector<16xf32>
    %select_n3A_59 = arith.select %lt3A_41, %broadcast_in_dim3A_39, %get3A_58 : vector<16xi1>, vector<16xf32>
    %swap3A_60 = arith.constant 0 : index
    %swap3A_61 = tpu.vector_load %arg7[%swap3A_60] {strides = array<i32>} : memref<7504xf32, #tpu.memory_space<vmem>>, vector<16xf32>,
    %swap3A_62 = vector.shape_cast %swap3A_61 : vector<16xf32> to vector<16xf32>
    %swap3A_63 = vector.shape_cast %select_n3A_59 : vector<16xf32> to vector<16xf32>
    tpu.vector_store %arg7[%swap3A_60], %swap3A_63 {strides = array<i32>} : memref<7504xf32, #tpu.memory_space<vmem>>, vector<16xf32>,
    %add3A_64 = arith.constant 7500 : i32
    %add3A_65 = arith.addi %add3A_64, %select_n3A_8 : i32
    %sub3A_66 = arith.constant 7488 : i32
    %sub3A_67 = arith.subi %add3A_65, %sub3A_66 : i32
    %ge3A = vector.broadcast %sub3A_67 : i32 to vector<16xi32>
    %ge3A_68 = arith.cmpi sge, %iota3A, %ge3A : vector<16xi32>
    %get3A_69 = arith.constant 7488 : index
    %get3A_70 = tpu.vector_load %arg5[%get3A_69] {strides = array<i32>} : memref<7504xf32, #tpu.memory_space<vmem>>, vector<16xf32>,
    %get3A_71 = vector.shape_cast %get3A_70 : vector<16xf32> to vector<16xf32>
    %select_n3A_72 = arith.select %ge3A_68, %broadcast_in_dim3A_39, %get3A_71 : vector<16xi1>, vector<16xf32>
    %swap3A_73 = arith.constant 7488 : index
    %swap3A_74 = tpu.vector_load %arg5[%swap3A_73] {strides = array<i32>} : memref<7504xf32, #tpu.memory_space<vmem>>, vector<16xf32>,
    %swap3A_75 = vector.shape_cast %swap3A_74 : vector<16xf32> to vector<16xf32>
    %swap3A_76 = vector.shape_cast %select_n3A_72 : vector<16xf32> to vector<16xf32>
    tpu.vector_store %arg5[%swap3A_73], %swap3A_76 {strides = array<i32>} : memref<7504xf32, #tpu.memory_space<vmem>>, vector<16xf32>,
    %get3A_77 = arith.constant 7488 : index
    %get3A_78 = tpu.vector_load %arg6[%get3A_77] {strides = array<i32>} : memref<7504xf32, #tpu.memory_space<vmem>>, vector<16xf32>,
    %get3A_79 = vector.shape_cast %get3A_78 : vector<16xf32> to vector<16xf32>
    %select_n3A_80 = arith.select %ge3A_68, %broadcast_in_dim3A_39, %get3A_79 : vector<16xi1>, vector<16xf32>
    %swap3A_81 = arith.constant 7488 : index
    %swap3A_82 = tpu.vector_load %arg6[%swap3A_81] {strides = array<i32>} : memref<7504xf32, #tpu.memory_space<vmem>>, vector<16xf32>,
    %swap3A_83 = vector.shape_cast %swap3A_82 : vector<16xf32> to vector<16xf32>
    %swap3A_84 = vector.shape_cast %select_n3A_80 : vector<16xf32> to vector<16xf32>
    tpu.vector_store %arg6[%swap3A_81], %swap3A_84 {strides = array<i32>} : memref<7504xf32, #tpu.memory_space<vmem>>, vector<16xf32>,
    %get3A_85 = arith.constant 7488 : index
    %get3A_86 = tpu.vector_load %arg7[%get3A_85] {strides = array<i32>} : memref<7504xf32, #tpu.memory_space<vmem>>, vector<16xf32>,
    %get3A_87 = vector.shape_cast %get3A_86 : vector<16xf32> to vector<16xf32>
    %select_n3A_88 = arith.select %ge3A_68, %broadcast_in_dim3A_39, %get3A_87 : vector<16xi1>, vector<16xf32>
    %swap3A_89 = arith.constant 7488 : index
    %swap3A_90 = tpu.vector_load %arg7[%swap3A_89] {strides = array<i32>} : memref<7504xf32, #tpu.memory_space<vmem>>, vector<16xf32>,
    %swap3A_91 = vector.shape_cast %swap3A_90 : vector<16xf32> to vector<16xf32>
    %swap3A_92 = vector.shape_cast %select_n3A_88 : vector<16xf32> to vector<16xf32>
    tpu.vector_store %arg7[%swap3A_89], %swap3A_92 {strides = array<i32>} : memref<7504xf32, #tpu.memory_space<vmem>>, vector<16xf32>,
    %mul3A_93 = arith.constant 32768 : i32
    %mul3A_94 = arith.muli %arg1, %mul3A_93 : i32
    "tpu.region"() ({
      %run_scoped3A = tpu.sem_alloc : memref<!tpu.dma_semaphore, #tpu.memory_space<semaphore_mem>>
      %dma_start3A_117 = tpu.memref_slice %arg11[%mul3A_94] : memref<524288xf32, #tpu.memory_space<vmem_shared>> -> memref<32768xf32, #tpu.memory_space<vmem_shared>>
      tpu.enqueue_dma source(%arg3 : memref<32768xf32, #tpu.memory_space<hbm>>) target(%dma_start3A_117 : memref<32768xf32, #tpu.memory_space<vmem_shared>>) target_semaphore(%run_scoped3A : memref<!tpu.dma_semaphore, #tpu.memory_space<semaphore_mem>>)
      %dma_wait3A_118 = tpu.memref_slice %arg11[%mul3A_94] : memref<524288xf32, #tpu.memory_space<vmem_shared>> -> memref<32768xf32, #tpu.memory_space<vmem_shared>>
      tpu.wait_dma2 semaphore(%run_scoped3A : memref<!tpu.dma_semaphore, #tpu.memory_space<semaphore_mem>>) src(%arg3 : memref<32768xf32, #tpu.memory_space<hbm>>) dst(%dma_wait3A_118 : memref<32768xf32, #tpu.memory_space<vmem_shared>>)
      tpu.yield
    }) : () -> ()
    %barrier3A = arith.constant 0 : index
    tpu.barrier barrier_id(%barrier3A)
    %parallel_loop3A = arith.constant 0 : i32
    %parallel_loop3A_95 = arith.constant 469 : i32
    %parallel_loop3A_96 = arith.constant 1 : i32
    scf.for %parallel_loop3A_117 = %parallel_loop3A to %parallel_loop3A_95 step %parallel_loop3A_96  : i32 {
      %parallel_loop3A_118 = arith.constant 16 : i32
      %parallel_loop3A_119 = arith.muli %parallel_loop3A_117, %parallel_loop3A_118 : i32
      %parallel_loop3A_120 = arith.index_cast %parallel_loop3A_119 : i32 to index
      %parallel_loop3A_121 = tpu.vector_load %arg5[%parallel_loop3A_120] {strides = array<i32>} : memref<7504xf32, #tpu.memory_space<vmem>>, vector<16xf32>,
      %parallel_loop3A_122 = vector.shape_cast %parallel_loop3A_121 : vector<16xf32> to vector<16xf32>
      %parallel_loop3A_123 = arith.index_cast %parallel_loop3A_119 : i32 to index
      %parallel_loop3A_124 = tpu.vector_load %arg6[%parallel_loop3A_123] {strides = array<i32>} : memref<7504xf32, #tpu.memory_space<vmem>>, vector<16xf32>,
      %parallel_loop3A_125 = vector.shape_cast %parallel_loop3A_124 : vector<16xf32> to vector<16xf32>
      %parallel_loop3A_126 = arith.constant 2.560000e+02 : f32
      %parallel_loop3A_127 = vector.broadcast %parallel_loop3A_126 : f32 to vector<16xf32>
      %parallel_loop3A_128 = arith.mulf %parallel_loop3A_122, %parallel_loop3A_127 : vector<16xf32>
      %parallel_loop3A_129 = arith.fptosi %parallel_loop3A_128 : vector<16xf32> to vector<16xi32>
      %parallel_loop3A_130 = arith.constant 2.560000e+02 : f32
      %parallel_loop3A_131 = vector.broadcast %parallel_loop3A_130 : f32 to vector<16xf32>
      %parallel_loop3A_132 = arith.mulf %parallel_loop3A_125, %parallel_loop3A_131 : vector<16xf32>
      %parallel_loop3A_133 = arith.fptosi %parallel_loop3A_132 : vector<16xf32> to vector<16xi32>
      %parallel_loop3A_134 = arith.constant 256 : i32
      %parallel_loop3A_135 = vector.broadcast %parallel_loop3A_134 : i32 to vector<16xi32>
      %parallel_loop3A_136 = arith.muli %parallel_loop3A_133, %parallel_loop3A_135 : vector<16xi32>
      %parallel_loop3A_137 = arith.addi %parallel_loop3A_136, %parallel_loop3A_129 : vector<16xi32>
      %parallel_loop3A_138 = arith.constant 7 : i32
      %parallel_loop3A_139 = vector.broadcast %parallel_loop3A_138 : i32 to vector<16xi32>
      %parallel_loop3A_140 = arith.shrsi %parallel_loop3A_137, %parallel_loop3A_139 : vector<16xi32>
      %parallel_loop3A_141 = arith.constant 10 : i32
      %parallel_loop3A_142 = vector.broadcast %parallel_loop3A_141 : i32 to vector<16xi32>
      %parallel_loop3A_143 = arith.shli %parallel_loop3A_140, %parallel_loop3A_142 : vector<16xi32>
      %parallel_loop3A_144 = arith.constant 127 : i32
      %parallel_loop3A_145 = vector.broadcast %parallel_loop3A_144 : i32 to vector<16xi32>
      %parallel_loop3A_146 = arith.andi %parallel_loop3A_137, %parallel_loop3A_145 : vector<16xi32>
      %parallel_loop3A_147 = arith.addi %parallel_loop3A_143, %parallel_loop3A_146 : vector<16xi32>
      %parallel_loop3A_148 = arith.index_cast %parallel_loop3A_119 : i32 to index
      %parallel_loop3A_149 = tpu.vector_load %arg8[%parallel_loop3A_148] {strides = array<i32>} : memref<7504xi32, #tpu.memory_space<vmem>>, vector<16xi32>,
      %parallel_loop3A_150 = vector.shape_cast %parallel_loop3A_149 : vector<16xi32> to vector<16xi32>
      %parallel_loop3A_151 = vector.shape_cast %parallel_loop3A_147 : vector<16xi32> to vector<16xi32>
      tpu.vector_store %arg8[%parallel_loop3A_148], %parallel_loop3A_151 {strides = array<i32>} : memref<7504xi32, #tpu.memory_space<vmem>>, vector<16xi32>,
      %parallel_loop3A_152 = arith.constant 128 : i32
      %parallel_loop3A_153 = vector.broadcast %parallel_loop3A_152 : i32 to vector<16xi32>
      %parallel_loop3A_154 = arith.addi %parallel_loop3A_147, %parallel_loop3A_153 : vector<16xi32>
      %parallel_loop3A_155 = arith.index_cast %parallel_loop3A_119 : i32 to index
      %parallel_loop3A_156 = tpu.vector_load %arg9[%parallel_loop3A_155] {strides = array<i32>} : memref<7504xi32, #tpu.memory_space<vmem>>, vector<16xi32>,
      %parallel_loop3A_157 = vector.shape_cast %parallel_loop3A_156 : vector<16xi32> to vector<16xi32>
      %parallel_loop3A_158 = vector.shape_cast %parallel_loop3A_154 : vector<16xi32> to vector<16xi32>
      tpu.vector_store %arg9[%parallel_loop3A_155], %parallel_loop3A_158 {strides = array<i32>} : memref<7504xi32, #tpu.memory_space<vmem>>, vector<16xi32>,
      %parallel_loop3A_159 = arith.constant 256 : i32
      %parallel_loop3A_160 = vector.broadcast %parallel_loop3A_159 : i32 to vector<16xi32>
      %parallel_loop3A_161 = arith.addi %parallel_loop3A_147, %parallel_loop3A_160 : vector<16xi32>
      %parallel_loop3A_162 = arith.index_cast %parallel_loop3A_119 : i32 to index
      %parallel_loop3A_163 = tpu.vector_load %arg10[%parallel_loop3A_162] {strides = array<i32>} : memref<7504xi32, #tpu.memory_space<vmem>>, vector<16xi32>,
      %parallel_loop3A_164 = vector.shape_cast %parallel_loop3A_163 : vector<16xi32> to vector<16xi32>
      %parallel_loop3A_165 = vector.shape_cast %parallel_loop3A_161 : vector<16xi32> to vector<16xi32>
      tpu.vector_store %arg10[%parallel_loop3A_162], %parallel_loop3A_165 {strides = array<i32>} : memref<7504xi32, #tpu.memory_space<vmem>>, vector<16xi32>,
    } {sc.loop_unroll_factor = 8 : i64, sc.parallel_access}
    %dma_start3A_97 = arith.constant 0 : i32
    %dma_start3A_98 = tpu.memref_slice %arg11[%dma_start3A_97] : memref<524288xf32, #tpu.memory_space<vmem_shared>> -> memref<524288xf32, #tpu.memory_space<vmem_shared>>
    tpu.enqueue_indirect_dma source(%arg5 : memref<7504xf32, #tpu.memory_space<vmem>>) target(%dma_start3A_98 : memref<524288xf32, #tpu.memory_space<vmem_shared>>) offsets(%arg8 : memref<7504xi32, #tpu.memory_space<vmem>>) semaphore(%arg12 : memref<!tpu.dma_semaphore, #tpu.memory_space<semaphore_mem>>) {add = true}
    %dma_start3A_99 = arith.constant 0 : i32
    %dma_start3A_100 = tpu.memref_slice %arg11[%dma_start3A_99] : memref<524288xf32, #tpu.memory_space<vmem_shared>> -> memref<524288xf32, #tpu.memory_space<vmem_shared>>
    tpu.enqueue_indirect_dma source(%arg6 : memref<7504xf32, #tpu.memory_space<vmem>>) target(%dma_start3A_100 : memref<524288xf32, #tpu.memory_space<vmem_shared>>) offsets(%arg9 : memref<7504xi32, #tpu.memory_space<vmem>>) semaphore(%arg13 : memref<!tpu.dma_semaphore, #tpu.memory_space<semaphore_mem>>) {add = true}
    %dma_start3A_101 = arith.constant 0 : i32
    %dma_start3A_102 = tpu.memref_slice %arg11[%dma_start3A_101] : memref<524288xf32, #tpu.memory_space<vmem_shared>> -> memref<524288xf32, #tpu.memory_space<vmem_shared>>
    tpu.enqueue_indirect_dma source(%arg7 : memref<7504xf32, #tpu.memory_space<vmem>>) target(%dma_start3A_102 : memref<524288xf32, #tpu.memory_space<vmem_shared>>) offsets(%arg10 : memref<7504xi32, #tpu.memory_space<vmem>>) semaphore(%arg14 : memref<!tpu.dma_semaphore, #tpu.memory_space<semaphore_mem>>) {add = true}
    %dma_wait3A_103 = arith.constant 0 : i32
    %dma_wait3A_104 = tpu.memref_slice %arg11[%dma_wait3A_103] : memref<524288xf32, #tpu.memory_space<vmem_shared>> -> memref<524288xf32, #tpu.memory_space<vmem_shared>>
    tpu.wait_indirect_dma semaphore(%arg12 : memref<!tpu.dma_semaphore, #tpu.memory_space<semaphore_mem>>) src(%arg5 : memref<7504xf32, #tpu.memory_space<vmem>>) dst(%dma_wait3A_104 : memref<524288xf32, #tpu.memory_space<vmem_shared>>)
    %dma_wait3A_105 = arith.constant 0 : i32
    %dma_wait3A_106 = tpu.memref_slice %arg11[%dma_wait3A_105] : memref<524288xf32, #tpu.memory_space<vmem_shared>> -> memref<524288xf32, #tpu.memory_space<vmem_shared>>
    tpu.wait_indirect_dma semaphore(%arg13 : memref<!tpu.dma_semaphore, #tpu.memory_space<semaphore_mem>>) src(%arg6 : memref<7504xf32, #tpu.memory_space<vmem>>) dst(%dma_wait3A_106 : memref<524288xf32, #tpu.memory_space<vmem_shared>>)
    %dma_wait3A_107 = arith.constant 0 : i32
    %dma_wait3A_108 = tpu.memref_slice %arg11[%dma_wait3A_107] : memref<524288xf32, #tpu.memory_space<vmem_shared>> -> memref<524288xf32, #tpu.memory_space<vmem_shared>>
    tpu.wait_indirect_dma semaphore(%arg14 : memref<!tpu.dma_semaphore, #tpu.memory_space<semaphore_mem>>) src(%arg7 : memref<7504xf32, #tpu.memory_space<vmem>>) dst(%dma_wait3A_108 : memref<524288xf32, #tpu.memory_space<vmem_shared>>)
    %barrier3A_109 = arith.constant 0 : index
    tpu.barrier barrier_id(%barrier3A_109)
    %mul3A_110 = arith.constant 32768 : i32
    %mul3A_111 = arith.muli %arg1, %mul3A_110 : i32
    %mul3A_112 = arith.constant 524288 : i32
    %mul3A_113 = arith.muli %arg0, %mul3A_112 : i32
    %mul3A_114 = arith.constant 32768 : i32
    %mul3A_115 = arith.muli %arg1, %mul3A_114 : i32
    %add3A_116 = arith.addi %mul3A_113, %mul3A_115 : i32
    "tpu.region"() ({
      %run_scoped3A = tpu.sem_alloc : memref<!tpu.dma_semaphore, #tpu.memory_space<semaphore_mem>>
      %dma_start3A_117 = tpu.memref_slice %arg4[%add3A_116] : memref<1048576xf32, #tpu.memory_space<hbm>> -> memref<32768xf32, #tpu.memory_space<hbm>>
      %dma_start3A_118 = tpu.memref_slice %arg11[%mul3A_111] : memref<524288xf32, #tpu.memory_space<vmem_shared>> -> memref<32768xf32, #tpu.memory_space<vmem_shared>>
      tpu.enqueue_dma source(%dma_start3A_118 : memref<32768xf32, #tpu.memory_space<vmem_shared>>) target(%dma_start3A_117 : memref<32768xf32, #tpu.memory_space<hbm>>) target_semaphore(%run_scoped3A : memref<!tpu.dma_semaphore, #tpu.memory_space<semaphore_mem>>)
      %dma_wait3A_119 = tpu.memref_slice %arg4[%add3A_116] : memref<1048576xf32, #tpu.memory_space<hbm>> -> memref<32768xf32, #tpu.memory_space<hbm>>
      %dma_wait3A_120 = tpu.memref_slice %arg11[%mul3A_111] : memref<524288xf32, #tpu.memory_space<vmem_shared>> -> memref<32768xf32, #tpu.memory_space<vmem_shared>>
      tpu.wait_dma2 semaphore(%run_scoped3A : memref<!tpu.dma_semaphore, #tpu.memory_space<semaphore_mem>>) src(%dma_wait3A_120 : memref<32768xf32, #tpu.memory_space<vmem_shared>>) dst(%dma_wait3A_119 : memref<32768xf32, #tpu.memory_space<hbm>>)
      tpu.yield
    }) : () -> ()
    return
  }
}

module attributes {stable_mosaic.version = 14 : i64} {
  func.func @_mlp_body(%arg0: i32, %arg1: i32, %arg2: memref<1x64x8x128xf32, #tpu.memory_space<vmem>>, %arg3: memref<8x64xf32, #tpu.memory_space<vmem>>, %arg4: memref<64x1xf32, #tpu.memory_space<vmem>>, %arg5: memref<64x128xf32, #tpu.memory_space<vmem>>, %arg6: memref<128x1xf32, #tpu.memory_space<vmem>>, %arg7: memref<128x128xf32, #tpu.memory_space<vmem>>, %arg8: memref<128x1xf32, #tpu.memory_space<vmem>>, %arg9: memref<1x128x32x256xf32, #tpu.memory_space<vmem>>) attributes {dimension_semantics = [#tpu.dimension_semantics<parallel>, #tpu.dimension_semantics<parallel>], iteration_bounds = array<i64: 2, 8>, scalar_prefetch = 0 : i64, scratch_operands = 0 : i64, tpu.core_type = #tpu.core_type<tc>, window_params = [{transform_indices = @transform_0, window_bounds = array<i64: 1, 64, 8, 128>}, {pipeline_mode = #tpu.pipeline_mode<synchronous>, transform_indices = @transform_1, window_bounds = array<i64: 8, 64>}, {pipeline_mode = #tpu.pipeline_mode<synchronous>, transform_indices = @transform_2, window_bounds = array<i64: 64, 1>}, {pipeline_mode = #tpu.pipeline_mode<synchronous>, transform_indices = @transform_3, window_bounds = array<i64: 64, 128>}, {pipeline_mode = #tpu.pipeline_mode<synchronous>, transform_indices = @transform_4, window_bounds = array<i64: 128, 1>}, {pipeline_mode = #tpu.pipeline_mode<synchronous>, transform_indices = @transform_5, window_bounds = array<i64: 128, 128>}, {pipeline_mode = #tpu.pipeline_mode<synchronous>, transform_indices = @transform_6, window_bounds = array<i64: 128, 1>}, {transform_indices = @transform_7, window_bounds = array<i64: 1, 128, 32, 256>}]} {
    %get3A = arith.constant 0 : index
    %get3A_0 = arith.constant 0 : index
    %get3A_1 = arith.constant 0 : index
    %get3A_2 = arith.constant 0 : index
    %get3A_3 = vector.load %arg2[%get3A, %get3A_0, %get3A_1, %get3A_2] : memref<1x64x8x128xf32, #tpu.memory_space<vmem>>, vector<1x64x8x128xf32>
    %get3A_4 = vector.shape_cast %get3A_3 : vector<1x64x8x128xf32> to vector<64x8x128xf32>
    %get3A_5 = arith.constant 0 : index
    %get3A_6 = arith.constant 0 : index
    %get3A_7 = vector.load %arg3[%get3A_5, %get3A_6] : memref<8x64xf32, #tpu.memory_space<vmem>>, vector<8x64xf32>
    %slice3A = vector.extract_strided_slice %get3A_4 {offsets = [0, 0, 0], sizes = [1, 8, 128], strides = [1, 1, 1]} : vector<64x8x128xf32> to vector<1x8x128xf32>
    %squeeze3A = vector.shape_cast %slice3A : vector<1x8x128xf32> to vector<8x128xf32>
    %dot_general3A = arith.constant dense<0.000000e+00> : vector<64x128xf32>
    %dot_general3A_8 = tpu.matmul %get3A_7, %squeeze3A, %dot_general3A {dimension_numbers = #tpu.dot_dimension_numbers<[0], [0], [1], [1], [0, 1, 1, 1], [], []>, transpose_lhs_hint = false} : vector<8x64xf32>, vector<8x128xf32>, vector<64x128xf32> -> vector<64x128xf32>
    %slice3A_9 = vector.extract_strided_slice %get3A_4 {offsets = [1, 0, 0], sizes = [1, 8, 128], strides = [1, 1, 1]} : vector<64x8x128xf32> to vector<1x8x128xf32>
    %squeeze3A_10 = vector.shape_cast %slice3A_9 : vector<1x8x128xf32> to vector<8x128xf32>
    %dot_general3A_11 = arith.constant dense<0.000000e+00> : vector<64x128xf32>
    %dot_general3A_12 = tpu.matmul %get3A_7, %squeeze3A_10, %dot_general3A_11 {dimension_numbers = #tpu.dot_dimension_numbers<[0], [0], [1], [1], [0, 1, 1, 1], [], []>, transpose_lhs_hint = false} : vector<8x64xf32>, vector<8x128xf32>, vector<64x128xf32> -> vector<64x128xf32>
    %slice3A_13 = vector.extract_strided_slice %get3A_4 {offsets = [2, 0, 0], sizes = [1, 8, 128], strides = [1, 1, 1]} : vector<64x8x128xf32> to vector<1x8x128xf32>
    %squeeze3A_14 = vector.shape_cast %slice3A_13 : vector<1x8x128xf32> to vector<8x128xf32>
    %dot_general3A_15 = arith.constant dense<0.000000e+00> : vector<64x128xf32>
    %dot_general3A_16 = tpu.matmul %get3A_7, %squeeze3A_14, %dot_general3A_15 {dimension_numbers = #tpu.dot_dimension_numbers<[0], [0], [1], [1], [0, 1, 1, 1], [], []>, transpose_lhs_hint = false} : vector<8x64xf32>, vector<8x128xf32>, vector<64x128xf32> -> vector<64x128xf32>
    %slice3A_17 = vector.extract_strided_slice %get3A_4 {offsets = [3, 0, 0], sizes = [1, 8, 128], strides = [1, 1, 1]} : vector<64x8x128xf32> to vector<1x8x128xf32>
    %squeeze3A_18 = vector.shape_cast %slice3A_17 : vector<1x8x128xf32> to vector<8x128xf32>
    %dot_general3A_19 = arith.constant dense<0.000000e+00> : vector<64x128xf32>
    %dot_general3A_20 = tpu.matmul %get3A_7, %squeeze3A_18, %dot_general3A_19 {dimension_numbers = #tpu.dot_dimension_numbers<[0], [0], [1], [1], [0, 1, 1, 1], [], []>, transpose_lhs_hint = false} : vector<8x64xf32>, vector<8x128xf32>, vector<64x128xf32> -> vector<64x128xf32>
    %slice3A_21 = vector.extract_strided_slice %get3A_4 {offsets = [4, 0, 0], sizes = [1, 8, 128], strides = [1, 1, 1]} : vector<64x8x128xf32> to vector<1x8x128xf32>
    %squeeze3A_22 = vector.shape_cast %slice3A_21 : vector<1x8x128xf32> to vector<8x128xf32>
    %dot_general3A_23 = arith.constant dense<0.000000e+00> : vector<64x128xf32>
    %dot_general3A_24 = tpu.matmul %get3A_7, %squeeze3A_22, %dot_general3A_23 {dimension_numbers = #tpu.dot_dimension_numbers<[0], [0], [1], [1], [0, 1, 1, 1], [], []>, transpose_lhs_hint = false} : vector<8x64xf32>, vector<8x128xf32>, vector<64x128xf32> -> vector<64x128xf32>
    %slice3A_25 = vector.extract_strided_slice %get3A_4 {offsets = [5, 0, 0], sizes = [1, 8, 128], strides = [1, 1, 1]} : vector<64x8x128xf32> to vector<1x8x128xf32>
    %squeeze3A_26 = vector.shape_cast %slice3A_25 : vector<1x8x128xf32> to vector<8x128xf32>
    %dot_general3A_27 = arith.constant dense<0.000000e+00> : vector<64x128xf32>
    %dot_general3A_28 = tpu.matmul %get3A_7, %squeeze3A_26, %dot_general3A_27 {dimension_numbers = #tpu.dot_dimension_numbers<[0], [0], [1], [1], [0, 1, 1, 1], [], []>, transpose_lhs_hint = false} : vector<8x64xf32>, vector<8x128xf32>, vector<64x128xf32> -> vector<64x128xf32>
    %slice3A_29 = vector.extract_strided_slice %get3A_4 {offsets = [6, 0, 0], sizes = [1, 8, 128], strides = [1, 1, 1]} : vector<64x8x128xf32> to vector<1x8x128xf32>
    %squeeze3A_30 = vector.shape_cast %slice3A_29 : vector<1x8x128xf32> to vector<8x128xf32>
    %dot_general3A_31 = arith.constant dense<0.000000e+00> : vector<64x128xf32>
    %dot_general3A_32 = tpu.matmul %get3A_7, %squeeze3A_30, %dot_general3A_31 {dimension_numbers = #tpu.dot_dimension_numbers<[0], [0], [1], [1], [0, 1, 1, 1], [], []>, transpose_lhs_hint = false} : vector<8x64xf32>, vector<8x128xf32>, vector<64x128xf32> -> vector<64x128xf32>
    %slice3A_33 = vector.extract_strided_slice %get3A_4 {offsets = [7, 0, 0], sizes = [1, 8, 128], strides = [1, 1, 1]} : vector<64x8x128xf32> to vector<1x8x128xf32>
    %squeeze3A_34 = vector.shape_cast %slice3A_33 : vector<1x8x128xf32> to vector<8x128xf32>
    %dot_general3A_35 = arith.constant dense<0.000000e+00> : vector<64x128xf32>
    %dot_general3A_36 = tpu.matmul %get3A_7, %squeeze3A_34, %dot_general3A_35 {dimension_numbers = #tpu.dot_dimension_numbers<[0], [0], [1], [1], [0, 1, 1, 1], [], []>, transpose_lhs_hint = false} : vector<8x64xf32>, vector<8x128xf32>, vector<64x128xf32> -> vector<64x128xf32>
    %slice3A_37 = vector.extract_strided_slice %get3A_4 {offsets = [8, 0, 0], sizes = [1, 8, 128], strides = [1, 1, 1]} : vector<64x8x128xf32> to vector<1x8x128xf32>
    %squeeze3A_38 = vector.shape_cast %slice3A_37 : vector<1x8x128xf32> to vector<8x128xf32>
    %dot_general3A_39 = arith.constant dense<0.000000e+00> : vector<64x128xf32>
    %dot_general3A_40 = tpu.matmul %get3A_7, %squeeze3A_38, %dot_general3A_39 {dimension_numbers = #tpu.dot_dimension_numbers<[0], [0], [1], [1], [0, 1, 1, 1], [], []>, transpose_lhs_hint = false} : vector<8x64xf32>, vector<8x128xf32>, vector<64x128xf32> -> vector<64x128xf32>
    %slice3A_41 = vector.extract_strided_slice %get3A_4 {offsets = [9, 0, 0], sizes = [1, 8, 128], strides = [1, 1, 1]} : vector<64x8x128xf32> to vector<1x8x128xf32>
    %squeeze3A_42 = vector.shape_cast %slice3A_41 : vector<1x8x128xf32> to vector<8x128xf32>
    %dot_general3A_43 = arith.constant dense<0.000000e+00> : vector<64x128xf32>
    %dot_general3A_44 = tpu.matmul %get3A_7, %squeeze3A_42, %dot_general3A_43 {dimension_numbers = #tpu.dot_dimension_numbers<[0], [0], [1], [1], [0, 1, 1, 1], [], []>, transpose_lhs_hint = false} : vector<8x64xf32>, vector<8x128xf32>, vector<64x128xf32> -> vector<64x128xf32>
    %slice3A_45 = vector.extract_strided_slice %get3A_4 {offsets = [10, 0, 0], sizes = [1, 8, 128], strides = [1, 1, 1]} : vector<64x8x128xf32> to vector<1x8x128xf32>
    %squeeze3A_46 = vector.shape_cast %slice3A_45 : vector<1x8x128xf32> to vector<8x128xf32>
    %dot_general3A_47 = arith.constant dense<0.000000e+00> : vector<64x128xf32>
    %dot_general3A_48 = tpu.matmul %get3A_7, %squeeze3A_46, %dot_general3A_47 {dimension_numbers = #tpu.dot_dimension_numbers<[0], [0], [1], [1], [0, 1, 1, 1], [], []>, transpose_lhs_hint = false} : vector<8x64xf32>, vector<8x128xf32>, vector<64x128xf32> -> vector<64x128xf32>
    %slice3A_49 = vector.extract_strided_slice %get3A_4 {offsets = [11, 0, 0], sizes = [1, 8, 128], strides = [1, 1, 1]} : vector<64x8x128xf32> to vector<1x8x128xf32>
    %squeeze3A_50 = vector.shape_cast %slice3A_49 : vector<1x8x128xf32> to vector<8x128xf32>
    %dot_general3A_51 = arith.constant dense<0.000000e+00> : vector<64x128xf32>
    %dot_general3A_52 = tpu.matmul %get3A_7, %squeeze3A_50, %dot_general3A_51 {dimension_numbers = #tpu.dot_dimension_numbers<[0], [0], [1], [1], [0, 1, 1, 1], [], []>, transpose_lhs_hint = false} : vector<8x64xf32>, vector<8x128xf32>, vector<64x128xf32> -> vector<64x128xf32>
    %slice3A_53 = vector.extract_strided_slice %get3A_4 {offsets = [12, 0, 0], sizes = [1, 8, 128], strides = [1, 1, 1]} : vector<64x8x128xf32> to vector<1x8x128xf32>
    %squeeze3A_54 = vector.shape_cast %slice3A_53 : vector<1x8x128xf32> to vector<8x128xf32>
    %dot_general3A_55 = arith.constant dense<0.000000e+00> : vector<64x128xf32>
    %dot_general3A_56 = tpu.matmul %get3A_7, %squeeze3A_54, %dot_general3A_55 {dimension_numbers = #tpu.dot_dimension_numbers<[0], [0], [1], [1], [0, 1, 1, 1], [], []>, transpose_lhs_hint = false} : vector<8x64xf32>, vector<8x128xf32>, vector<64x128xf32> -> vector<64x128xf32>
    %slice3A_57 = vector.extract_strided_slice %get3A_4 {offsets = [13, 0, 0], sizes = [1, 8, 128], strides = [1, 1, 1]} : vector<64x8x128xf32> to vector<1x8x128xf32>
    %squeeze3A_58 = vector.shape_cast %slice3A_57 : vector<1x8x128xf32> to vector<8x128xf32>
    %dot_general3A_59 = arith.constant dense<0.000000e+00> : vector<64x128xf32>
    %dot_general3A_60 = tpu.matmul %get3A_7, %squeeze3A_58, %dot_general3A_59 {dimension_numbers = #tpu.dot_dimension_numbers<[0], [0], [1], [1], [0, 1, 1, 1], [], []>, transpose_lhs_hint = false} : vector<8x64xf32>, vector<8x128xf32>, vector<64x128xf32> -> vector<64x128xf32>
    %slice3A_61 = vector.extract_strided_slice %get3A_4 {offsets = [14, 0, 0], sizes = [1, 8, 128], strides = [1, 1, 1]} : vector<64x8x128xf32> to vector<1x8x128xf32>
    %squeeze3A_62 = vector.shape_cast %slice3A_61 : vector<1x8x128xf32> to vector<8x128xf32>
    %dot_general3A_63 = arith.constant dense<0.000000e+00> : vector<64x128xf32>
    %dot_general3A_64 = tpu.matmul %get3A_7, %squeeze3A_62, %dot_general3A_63 {dimension_numbers = #tpu.dot_dimension_numbers<[0], [0], [1], [1], [0, 1, 1, 1], [], []>, transpose_lhs_hint = false} : vector<8x64xf32>, vector<8x128xf32>, vector<64x128xf32> -> vector<64x128xf32>
    %slice3A_65 = vector.extract_strided_slice %get3A_4 {offsets = [15, 0, 0], sizes = [1, 8, 128], strides = [1, 1, 1]} : vector<64x8x128xf32> to vector<1x8x128xf32>
    %squeeze3A_66 = vector.shape_cast %slice3A_65 : vector<1x8x128xf32> to vector<8x128xf32>
    %dot_general3A_67 = arith.constant dense<0.000000e+00> : vector<64x128xf32>
    %dot_general3A_68 = tpu.matmul %get3A_7, %squeeze3A_66, %dot_general3A_67 {dimension_numbers = #tpu.dot_dimension_numbers<[0], [0], [1], [1], [0, 1, 1, 1], [], []>, transpose_lhs_hint = false} : vector<8x64xf32>, vector<8x128xf32>, vector<64x128xf32> -> vector<64x128xf32>
    %slice3A_69 = vector.extract_strided_slice %get3A_4 {offsets = [16, 0, 0], sizes = [1, 8, 128], strides = [1, 1, 1]} : vector<64x8x128xf32> to vector<1x8x128xf32>
    %squeeze3A_70 = vector.shape_cast %slice3A_69 : vector<1x8x128xf32> to vector<8x128xf32>
    %dot_general3A_71 = arith.constant dense<0.000000e+00> : vector<64x128xf32>
    %dot_general3A_72 = tpu.matmul %get3A_7, %squeeze3A_70, %dot_general3A_71 {dimension_numbers = #tpu.dot_dimension_numbers<[0], [0], [1], [1], [0, 1, 1, 1], [], []>, transpose_lhs_hint = false} : vector<8x64xf32>, vector<8x128xf32>, vector<64x128xf32> -> vector<64x128xf32>
    %slice3A_73 = vector.extract_strided_slice %get3A_4 {offsets = [17, 0, 0], sizes = [1, 8, 128], strides = [1, 1, 1]} : vector<64x8x128xf32> to vector<1x8x128xf32>
    %squeeze3A_74 = vector.shape_cast %slice3A_73 : vector<1x8x128xf32> to vector<8x128xf32>
    %dot_general3A_75 = arith.constant dense<0.000000e+00> : vector<64x128xf32>
    %dot_general3A_76 = tpu.matmul %get3A_7, %squeeze3A_74, %dot_general3A_75 {dimension_numbers = #tpu.dot_dimension_numbers<[0], [0], [1], [1], [0, 1, 1, 1], [], []>, transpose_lhs_hint = false} : vector<8x64xf32>, vector<8x128xf32>, vector<64x128xf32> -> vector<64x128xf32>
    %slice3A_77 = vector.extract_strided_slice %get3A_4 {offsets = [18, 0, 0], sizes = [1, 8, 128], strides = [1, 1, 1]} : vector<64x8x128xf32> to vector<1x8x128xf32>
    %squeeze3A_78 = vector.shape_cast %slice3A_77 : vector<1x8x128xf32> to vector<8x128xf32>
    %dot_general3A_79 = arith.constant dense<0.000000e+00> : vector<64x128xf32>
    %dot_general3A_80 = tpu.matmul %get3A_7, %squeeze3A_78, %dot_general3A_79 {dimension_numbers = #tpu.dot_dimension_numbers<[0], [0], [1], [1], [0, 1, 1, 1], [], []>, transpose_lhs_hint = false} : vector<8x64xf32>, vector<8x128xf32>, vector<64x128xf32> -> vector<64x128xf32>
    %slice3A_81 = vector.extract_strided_slice %get3A_4 {offsets = [19, 0, 0], sizes = [1, 8, 128], strides = [1, 1, 1]} : vector<64x8x128xf32> to vector<1x8x128xf32>
    %squeeze3A_82 = vector.shape_cast %slice3A_81 : vector<1x8x128xf32> to vector<8x128xf32>
    %dot_general3A_83 = arith.constant dense<0.000000e+00> : vector<64x128xf32>
    %dot_general3A_84 = tpu.matmul %get3A_7, %squeeze3A_82, %dot_general3A_83 {dimension_numbers = #tpu.dot_dimension_numbers<[0], [0], [1], [1], [0, 1, 1, 1], [], []>, transpose_lhs_hint = false} : vector<8x64xf32>, vector<8x128xf32>, vector<64x128xf32> -> vector<64x128xf32>
    %slice3A_85 = vector.extract_strided_slice %get3A_4 {offsets = [20, 0, 0], sizes = [1, 8, 128], strides = [1, 1, 1]} : vector<64x8x128xf32> to vector<1x8x128xf32>
    %squeeze3A_86 = vector.shape_cast %slice3A_85 : vector<1x8x128xf32> to vector<8x128xf32>
    %dot_general3A_87 = arith.constant dense<0.000000e+00> : vector<64x128xf32>
    %dot_general3A_88 = tpu.matmul %get3A_7, %squeeze3A_86, %dot_general3A_87 {dimension_numbers = #tpu.dot_dimension_numbers<[0], [0], [1], [1], [0, 1, 1, 1], [], []>, transpose_lhs_hint = false} : vector<8x64xf32>, vector<8x128xf32>, vector<64x128xf32> -> vector<64x128xf32>
    %slice3A_89 = vector.extract_strided_slice %get3A_4 {offsets = [21, 0, 0], sizes = [1, 8, 128], strides = [1, 1, 1]} : vector<64x8x128xf32> to vector<1x8x128xf32>
    %squeeze3A_90 = vector.shape_cast %slice3A_89 : vector<1x8x128xf32> to vector<8x128xf32>
    %dot_general3A_91 = arith.constant dense<0.000000e+00> : vector<64x128xf32>
    %dot_general3A_92 = tpu.matmul %get3A_7, %squeeze3A_90, %dot_general3A_91 {dimension_numbers = #tpu.dot_dimension_numbers<[0], [0], [1], [1], [0, 1, 1, 1], [], []>, transpose_lhs_hint = false} : vector<8x64xf32>, vector<8x128xf32>, vector<64x128xf32> -> vector<64x128xf32>
    %slice3A_93 = vector.extract_strided_slice %get3A_4 {offsets = [22, 0, 0], sizes = [1, 8, 128], strides = [1, 1, 1]} : vector<64x8x128xf32> to vector<1x8x128xf32>
    %squeeze3A_94 = vector.shape_cast %slice3A_93 : vector<1x8x128xf32> to vector<8x128xf32>
    %dot_general3A_95 = arith.constant dense<0.000000e+00> : vector<64x128xf32>
    %dot_general3A_96 = tpu.matmul %get3A_7, %squeeze3A_94, %dot_general3A_95 {dimension_numbers = #tpu.dot_dimension_numbers<[0], [0], [1], [1], [0, 1, 1, 1], [], []>, transpose_lhs_hint = false} : vector<8x64xf32>, vector<8x128xf32>, vector<64x128xf32> -> vector<64x128xf32>
    %slice3A_97 = vector.extract_strided_slice %get3A_4 {offsets = [23, 0, 0], sizes = [1, 8, 128], strides = [1, 1, 1]} : vector<64x8x128xf32> to vector<1x8x128xf32>
    %squeeze3A_98 = vector.shape_cast %slice3A_97 : vector<1x8x128xf32> to vector<8x128xf32>
    %dot_general3A_99 = arith.constant dense<0.000000e+00> : vector<64x128xf32>
    %dot_general3A_100 = tpu.matmul %get3A_7, %squeeze3A_98, %dot_general3A_99 {dimension_numbers = #tpu.dot_dimension_numbers<[0], [0], [1], [1], [0, 1, 1, 1], [], []>, transpose_lhs_hint = false} : vector<8x64xf32>, vector<8x128xf32>, vector<64x128xf32> -> vector<64x128xf32>
    %slice3A_101 = vector.extract_strided_slice %get3A_4 {offsets = [24, 0, 0], sizes = [1, 8, 128], strides = [1, 1, 1]} : vector<64x8x128xf32> to vector<1x8x128xf32>
    %squeeze3A_102 = vector.shape_cast %slice3A_101 : vector<1x8x128xf32> to vector<8x128xf32>
    %dot_general3A_103 = arith.constant dense<0.000000e+00> : vector<64x128xf32>
    %dot_general3A_104 = tpu.matmul %get3A_7, %squeeze3A_102, %dot_general3A_103 {dimension_numbers = #tpu.dot_dimension_numbers<[0], [0], [1], [1], [0, 1, 1, 1], [], []>, transpose_lhs_hint = false} : vector<8x64xf32>, vector<8x128xf32>, vector<64x128xf32> -> vector<64x128xf32>
    %slice3A_105 = vector.extract_strided_slice %get3A_4 {offsets = [25, 0, 0], sizes = [1, 8, 128], strides = [1, 1, 1]} : vector<64x8x128xf32> to vector<1x8x128xf32>
    %squeeze3A_106 = vector.shape_cast %slice3A_105 : vector<1x8x128xf32> to vector<8x128xf32>
    %dot_general3A_107 = arith.constant dense<0.000000e+00> : vector<64x128xf32>
    %dot_general3A_108 = tpu.matmul %get3A_7, %squeeze3A_106, %dot_general3A_107 {dimension_numbers = #tpu.dot_dimension_numbers<[0], [0], [1], [1], [0, 1, 1, 1], [], []>, transpose_lhs_hint = false} : vector<8x64xf32>, vector<8x128xf32>, vector<64x128xf32> -> vector<64x128xf32>
    %slice3A_109 = vector.extract_strided_slice %get3A_4 {offsets = [26, 0, 0], sizes = [1, 8, 128], strides = [1, 1, 1]} : vector<64x8x128xf32> to vector<1x8x128xf32>
    %squeeze3A_110 = vector.shape_cast %slice3A_109 : vector<1x8x128xf32> to vector<8x128xf32>
    %dot_general3A_111 = arith.constant dense<0.000000e+00> : vector<64x128xf32>
    %dot_general3A_112 = tpu.matmul %get3A_7, %squeeze3A_110, %dot_general3A_111 {dimension_numbers = #tpu.dot_dimension_numbers<[0], [0], [1], [1], [0, 1, 1, 1], [], []>, transpose_lhs_hint = false} : vector<8x64xf32>, vector<8x128xf32>, vector<64x128xf32> -> vector<64x128xf32>
    %slice3A_113 = vector.extract_strided_slice %get3A_4 {offsets = [27, 0, 0], sizes = [1, 8, 128], strides = [1, 1, 1]} : vector<64x8x128xf32> to vector<1x8x128xf32>
    %squeeze3A_114 = vector.shape_cast %slice3A_113 : vector<1x8x128xf32> to vector<8x128xf32>
    %dot_general3A_115 = arith.constant dense<0.000000e+00> : vector<64x128xf32>
    %dot_general3A_116 = tpu.matmul %get3A_7, %squeeze3A_114, %dot_general3A_115 {dimension_numbers = #tpu.dot_dimension_numbers<[0], [0], [1], [1], [0, 1, 1, 1], [], []>, transpose_lhs_hint = false} : vector<8x64xf32>, vector<8x128xf32>, vector<64x128xf32> -> vector<64x128xf32>
    %slice3A_117 = vector.extract_strided_slice %get3A_4 {offsets = [28, 0, 0], sizes = [1, 8, 128], strides = [1, 1, 1]} : vector<64x8x128xf32> to vector<1x8x128xf32>
    %squeeze3A_118 = vector.shape_cast %slice3A_117 : vector<1x8x128xf32> to vector<8x128xf32>
    %dot_general3A_119 = arith.constant dense<0.000000e+00> : vector<64x128xf32>
    %dot_general3A_120 = tpu.matmul %get3A_7, %squeeze3A_118, %dot_general3A_119 {dimension_numbers = #tpu.dot_dimension_numbers<[0], [0], [1], [1], [0, 1, 1, 1], [], []>, transpose_lhs_hint = false} : vector<8x64xf32>, vector<8x128xf32>, vector<64x128xf32> -> vector<64x128xf32>
    %slice3A_121 = vector.extract_strided_slice %get3A_4 {offsets = [29, 0, 0], sizes = [1, 8, 128], strides = [1, 1, 1]} : vector<64x8x128xf32> to vector<1x8x128xf32>
    %squeeze3A_122 = vector.shape_cast %slice3A_121 : vector<1x8x128xf32> to vector<8x128xf32>
    %dot_general3A_123 = arith.constant dense<0.000000e+00> : vector<64x128xf32>
    %dot_general3A_124 = tpu.matmul %get3A_7, %squeeze3A_122, %dot_general3A_123 {dimension_numbers = #tpu.dot_dimension_numbers<[0], [0], [1], [1], [0, 1, 1, 1], [], []>, transpose_lhs_hint = false} : vector<8x64xf32>, vector<8x128xf32>, vector<64x128xf32> -> vector<64x128xf32>
    %slice3A_125 = vector.extract_strided_slice %get3A_4 {offsets = [30, 0, 0], sizes = [1, 8, 128], strides = [1, 1, 1]} : vector<64x8x128xf32> to vector<1x8x128xf32>
    %squeeze3A_126 = vector.shape_cast %slice3A_125 : vector<1x8x128xf32> to vector<8x128xf32>
    %dot_general3A_127 = arith.constant dense<0.000000e+00> : vector<64x128xf32>
    %dot_general3A_128 = tpu.matmul %get3A_7, %squeeze3A_126, %dot_general3A_127 {dimension_numbers = #tpu.dot_dimension_numbers<[0], [0], [1], [1], [0, 1, 1, 1], [], []>, transpose_lhs_hint = false} : vector<8x64xf32>, vector<8x128xf32>, vector<64x128xf32> -> vector<64x128xf32>
    %slice3A_129 = vector.extract_strided_slice %get3A_4 {offsets = [31, 0, 0], sizes = [1, 8, 128], strides = [1, 1, 1]} : vector<64x8x128xf32> to vector<1x8x128xf32>
    %squeeze3A_130 = vector.shape_cast %slice3A_129 : vector<1x8x128xf32> to vector<8x128xf32>
    %dot_general3A_131 = arith.constant dense<0.000000e+00> : vector<64x128xf32>
    %dot_general3A_132 = tpu.matmul %get3A_7, %squeeze3A_130, %dot_general3A_131 {dimension_numbers = #tpu.dot_dimension_numbers<[0], [0], [1], [1], [0, 1, 1, 1], [], []>, transpose_lhs_hint = false} : vector<8x64xf32>, vector<8x128xf32>, vector<64x128xf32> -> vector<64x128xf32>
    %slice3A_133 = vector.extract_strided_slice %get3A_4 {offsets = [32, 0, 0], sizes = [1, 8, 128], strides = [1, 1, 1]} : vector<64x8x128xf32> to vector<1x8x128xf32>
    %squeeze3A_134 = vector.shape_cast %slice3A_133 : vector<1x8x128xf32> to vector<8x128xf32>
    %dot_general3A_135 = arith.constant dense<0.000000e+00> : vector<64x128xf32>
    %dot_general3A_136 = tpu.matmul %get3A_7, %squeeze3A_134, %dot_general3A_135 {dimension_numbers = #tpu.dot_dimension_numbers<[0], [0], [1], [1], [0, 1, 1, 1], [], []>, transpose_lhs_hint = false} : vector<8x64xf32>, vector<8x128xf32>, vector<64x128xf32> -> vector<64x128xf32>
    %slice3A_137 = vector.extract_strided_slice %get3A_4 {offsets = [33, 0, 0], sizes = [1, 8, 128], strides = [1, 1, 1]} : vector<64x8x128xf32> to vector<1x8x128xf32>
    %squeeze3A_138 = vector.shape_cast %slice3A_137 : vector<1x8x128xf32> to vector<8x128xf32>
    %dot_general3A_139 = arith.constant dense<0.000000e+00> : vector<64x128xf32>
    %dot_general3A_140 = tpu.matmul %get3A_7, %squeeze3A_138, %dot_general3A_139 {dimension_numbers = #tpu.dot_dimension_numbers<[0], [0], [1], [1], [0, 1, 1, 1], [], []>, transpose_lhs_hint = false} : vector<8x64xf32>, vector<8x128xf32>, vector<64x128xf32> -> vector<64x128xf32>
    %slice3A_141 = vector.extract_strided_slice %get3A_4 {offsets = [34, 0, 0], sizes = [1, 8, 128], strides = [1, 1, 1]} : vector<64x8x128xf32> to vector<1x8x128xf32>
    %squeeze3A_142 = vector.shape_cast %slice3A_141 : vector<1x8x128xf32> to vector<8x128xf32>
    %dot_general3A_143 = arith.constant dense<0.000000e+00> : vector<64x128xf32>
    %dot_general3A_144 = tpu.matmul %get3A_7, %squeeze3A_142, %dot_general3A_143 {dimension_numbers = #tpu.dot_dimension_numbers<[0], [0], [1], [1], [0, 1, 1, 1], [], []>, transpose_lhs_hint = false} : vector<8x64xf32>, vector<8x128xf32>, vector<64x128xf32> -> vector<64x128xf32>
    %slice3A_145 = vector.extract_strided_slice %get3A_4 {offsets = [35, 0, 0], sizes = [1, 8, 128], strides = [1, 1, 1]} : vector<64x8x128xf32> to vector<1x8x128xf32>
    %squeeze3A_146 = vector.shape_cast %slice3A_145 : vector<1x8x128xf32> to vector<8x128xf32>
    %dot_general3A_147 = arith.constant dense<0.000000e+00> : vector<64x128xf32>
    %dot_general3A_148 = tpu.matmul %get3A_7, %squeeze3A_146, %dot_general3A_147 {dimension_numbers = #tpu.dot_dimension_numbers<[0], [0], [1], [1], [0, 1, 1, 1], [], []>, transpose_lhs_hint = false} : vector<8x64xf32>, vector<8x128xf32>, vector<64x128xf32> -> vector<64x128xf32>
    %slice3A_149 = vector.extract_strided_slice %get3A_4 {offsets = [36, 0, 0], sizes = [1, 8, 128], strides = [1, 1, 1]} : vector<64x8x128xf32> to vector<1x8x128xf32>
    %squeeze3A_150 = vector.shape_cast %slice3A_149 : vector<1x8x128xf32> to vector<8x128xf32>
    %dot_general3A_151 = arith.constant dense<0.000000e+00> : vector<64x128xf32>
    %dot_general3A_152 = tpu.matmul %get3A_7, %squeeze3A_150, %dot_general3A_151 {dimension_numbers = #tpu.dot_dimension_numbers<[0], [0], [1], [1], [0, 1, 1, 1], [], []>, transpose_lhs_hint = false} : vector<8x64xf32>, vector<8x128xf32>, vector<64x128xf32> -> vector<64x128xf32>
    %slice3A_153 = vector.extract_strided_slice %get3A_4 {offsets = [37, 0, 0], sizes = [1, 8, 128], strides = [1, 1, 1]} : vector<64x8x128xf32> to vector<1x8x128xf32>
    %squeeze3A_154 = vector.shape_cast %slice3A_153 : vector<1x8x128xf32> to vector<8x128xf32>
    %dot_general3A_155 = arith.constant dense<0.000000e+00> : vector<64x128xf32>
    %dot_general3A_156 = tpu.matmul %get3A_7, %squeeze3A_154, %dot_general3A_155 {dimension_numbers = #tpu.dot_dimension_numbers<[0], [0], [1], [1], [0, 1, 1, 1], [], []>, transpose_lhs_hint = false} : vector<8x64xf32>, vector<8x128xf32>, vector<64x128xf32> -> vector<64x128xf32>
    %slice3A_157 = vector.extract_strided_slice %get3A_4 {offsets = [38, 0, 0], sizes = [1, 8, 128], strides = [1, 1, 1]} : vector<64x8x128xf32> to vector<1x8x128xf32>
    %squeeze3A_158 = vector.shape_cast %slice3A_157 : vector<1x8x128xf32> to vector<8x128xf32>
    %dot_general3A_159 = arith.constant dense<0.000000e+00> : vector<64x128xf32>
    %dot_general3A_160 = tpu.matmul %get3A_7, %squeeze3A_158, %dot_general3A_159 {dimension_numbers = #tpu.dot_dimension_numbers<[0], [0], [1], [1], [0, 1, 1, 1], [], []>, transpose_lhs_hint = false} : vector<8x64xf32>, vector<8x128xf32>, vector<64x128xf32> -> vector<64x128xf32>
    %slice3A_161 = vector.extract_strided_slice %get3A_4 {offsets = [39, 0, 0], sizes = [1, 8, 128], strides = [1, 1, 1]} : vector<64x8x128xf32> to vector<1x8x128xf32>
    %squeeze3A_162 = vector.shape_cast %slice3A_161 : vector<1x8x128xf32> to vector<8x128xf32>
    %dot_general3A_163 = arith.constant dense<0.000000e+00> : vector<64x128xf32>
    %dot_general3A_164 = tpu.matmul %get3A_7, %squeeze3A_162, %dot_general3A_163 {dimension_numbers = #tpu.dot_dimension_numbers<[0], [0], [1], [1], [0, 1, 1, 1], [], []>, transpose_lhs_hint = false} : vector<8x64xf32>, vector<8x128xf32>, vector<64x128xf32> -> vector<64x128xf32>
    %slice3A_165 = vector.extract_strided_slice %get3A_4 {offsets = [40, 0, 0], sizes = [1, 8, 128], strides = [1, 1, 1]} : vector<64x8x128xf32> to vector<1x8x128xf32>
    %squeeze3A_166 = vector.shape_cast %slice3A_165 : vector<1x8x128xf32> to vector<8x128xf32>
    %dot_general3A_167 = arith.constant dense<0.000000e+00> : vector<64x128xf32>
    %dot_general3A_168 = tpu.matmul %get3A_7, %squeeze3A_166, %dot_general3A_167 {dimension_numbers = #tpu.dot_dimension_numbers<[0], [0], [1], [1], [0, 1, 1, 1], [], []>, transpose_lhs_hint = false} : vector<8x64xf32>, vector<8x128xf32>, vector<64x128xf32> -> vector<64x128xf32>
    %slice3A_169 = vector.extract_strided_slice %get3A_4 {offsets = [41, 0, 0], sizes = [1, 8, 128], strides = [1, 1, 1]} : vector<64x8x128xf32> to vector<1x8x128xf32>
    %squeeze3A_170 = vector.shape_cast %slice3A_169 : vector<1x8x128xf32> to vector<8x128xf32>
    %dot_general3A_171 = arith.constant dense<0.000000e+00> : vector<64x128xf32>
    %dot_general3A_172 = tpu.matmul %get3A_7, %squeeze3A_170, %dot_general3A_171 {dimension_numbers = #tpu.dot_dimension_numbers<[0], [0], [1], [1], [0, 1, 1, 1], [], []>, transpose_lhs_hint = false} : vector<8x64xf32>, vector<8x128xf32>, vector<64x128xf32> -> vector<64x128xf32>
    %slice3A_173 = vector.extract_strided_slice %get3A_4 {offsets = [42, 0, 0], sizes = [1, 8, 128], strides = [1, 1, 1]} : vector<64x8x128xf32> to vector<1x8x128xf32>
    %squeeze3A_174 = vector.shape_cast %slice3A_173 : vector<1x8x128xf32> to vector<8x128xf32>
    %dot_general3A_175 = arith.constant dense<0.000000e+00> : vector<64x128xf32>
    %dot_general3A_176 = tpu.matmul %get3A_7, %squeeze3A_174, %dot_general3A_175 {dimension_numbers = #tpu.dot_dimension_numbers<[0], [0], [1], [1], [0, 1, 1, 1], [], []>, transpose_lhs_hint = false} : vector<8x64xf32>, vector<8x128xf32>, vector<64x128xf32> -> vector<64x128xf32>
    %slice3A_177 = vector.extract_strided_slice %get3A_4 {offsets = [43, 0, 0], sizes = [1, 8, 128], strides = [1, 1, 1]} : vector<64x8x128xf32> to vector<1x8x128xf32>
    %squeeze3A_178 = vector.shape_cast %slice3A_177 : vector<1x8x128xf32> to vector<8x128xf32>
    %dot_general3A_179 = arith.constant dense<0.000000e+00> : vector<64x128xf32>
    %dot_general3A_180 = tpu.matmul %get3A_7, %squeeze3A_178, %dot_general3A_179 {dimension_numbers = #tpu.dot_dimension_numbers<[0], [0], [1], [1], [0, 1, 1, 1], [], []>, transpose_lhs_hint = false} : vector<8x64xf32>, vector<8x128xf32>, vector<64x128xf32> -> vector<64x128xf32>
    %slice3A_181 = vector.extract_strided_slice %get3A_4 {offsets = [44, 0, 0], sizes = [1, 8, 128], strides = [1, 1, 1]} : vector<64x8x128xf32> to vector<1x8x128xf32>
    %squeeze3A_182 = vector.shape_cast %slice3A_181 : vector<1x8x128xf32> to vector<8x128xf32>
    %dot_general3A_183 = arith.constant dense<0.000000e+00> : vector<64x128xf32>
    %dot_general3A_184 = tpu.matmul %get3A_7, %squeeze3A_182, %dot_general3A_183 {dimension_numbers = #tpu.dot_dimension_numbers<[0], [0], [1], [1], [0, 1, 1, 1], [], []>, transpose_lhs_hint = false} : vector<8x64xf32>, vector<8x128xf32>, vector<64x128xf32> -> vector<64x128xf32>
    %slice3A_185 = vector.extract_strided_slice %get3A_4 {offsets = [45, 0, 0], sizes = [1, 8, 128], strides = [1, 1, 1]} : vector<64x8x128xf32> to vector<1x8x128xf32>
    %squeeze3A_186 = vector.shape_cast %slice3A_185 : vector<1x8x128xf32> to vector<8x128xf32>
    %dot_general3A_187 = arith.constant dense<0.000000e+00> : vector<64x128xf32>
    %dot_general3A_188 = tpu.matmul %get3A_7, %squeeze3A_186, %dot_general3A_187 {dimension_numbers = #tpu.dot_dimension_numbers<[0], [0], [1], [1], [0, 1, 1, 1], [], []>, transpose_lhs_hint = false} : vector<8x64xf32>, vector<8x128xf32>, vector<64x128xf32> -> vector<64x128xf32>
    %slice3A_189 = vector.extract_strided_slice %get3A_4 {offsets = [46, 0, 0], sizes = [1, 8, 128], strides = [1, 1, 1]} : vector<64x8x128xf32> to vector<1x8x128xf32>
    %squeeze3A_190 = vector.shape_cast %slice3A_189 : vector<1x8x128xf32> to vector<8x128xf32>
    %dot_general3A_191 = arith.constant dense<0.000000e+00> : vector<64x128xf32>
    %dot_general3A_192 = tpu.matmul %get3A_7, %squeeze3A_190, %dot_general3A_191 {dimension_numbers = #tpu.dot_dimension_numbers<[0], [0], [1], [1], [0, 1, 1, 1], [], []>, transpose_lhs_hint = false} : vector<8x64xf32>, vector<8x128xf32>, vector<64x128xf32> -> vector<64x128xf32>
    %slice3A_193 = vector.extract_strided_slice %get3A_4 {offsets = [47, 0, 0], sizes = [1, 8, 128], strides = [1, 1, 1]} : vector<64x8x128xf32> to vector<1x8x128xf32>
    %squeeze3A_194 = vector.shape_cast %slice3A_193 : vector<1x8x128xf32> to vector<8x128xf32>
    %dot_general3A_195 = arith.constant dense<0.000000e+00> : vector<64x128xf32>
    %dot_general3A_196 = tpu.matmul %get3A_7, %squeeze3A_194, %dot_general3A_195 {dimension_numbers = #tpu.dot_dimension_numbers<[0], [0], [1], [1], [0, 1, 1, 1], [], []>, transpose_lhs_hint = false} : vector<8x64xf32>, vector<8x128xf32>, vector<64x128xf32> -> vector<64x128xf32>
    %slice3A_197 = vector.extract_strided_slice %get3A_4 {offsets = [48, 0, 0], sizes = [1, 8, 128], strides = [1, 1, 1]} : vector<64x8x128xf32> to vector<1x8x128xf32>
    %squeeze3A_198 = vector.shape_cast %slice3A_197 : vector<1x8x128xf32> to vector<8x128xf32>
    %dot_general3A_199 = arith.constant dense<0.000000e+00> : vector<64x128xf32>
    %dot_general3A_200 = tpu.matmul %get3A_7, %squeeze3A_198, %dot_general3A_199 {dimension_numbers = #tpu.dot_dimension_numbers<[0], [0], [1], [1], [0, 1, 1, 1], [], []>, transpose_lhs_hint = false} : vector<8x64xf32>, vector<8x128xf32>, vector<64x128xf32> -> vector<64x128xf32>
    %slice3A_201 = vector.extract_strided_slice %get3A_4 {offsets = [49, 0, 0], sizes = [1, 8, 128], strides = [1, 1, 1]} : vector<64x8x128xf32> to vector<1x8x128xf32>
    %squeeze3A_202 = vector.shape_cast %slice3A_201 : vector<1x8x128xf32> to vector<8x128xf32>
    %dot_general3A_203 = arith.constant dense<0.000000e+00> : vector<64x128xf32>
    %dot_general3A_204 = tpu.matmul %get3A_7, %squeeze3A_202, %dot_general3A_203 {dimension_numbers = #tpu.dot_dimension_numbers<[0], [0], [1], [1], [0, 1, 1, 1], [], []>, transpose_lhs_hint = false} : vector<8x64xf32>, vector<8x128xf32>, vector<64x128xf32> -> vector<64x128xf32>
    %slice3A_205 = vector.extract_strided_slice %get3A_4 {offsets = [50, 0, 0], sizes = [1, 8, 128], strides = [1, 1, 1]} : vector<64x8x128xf32> to vector<1x8x128xf32>
    %squeeze3A_206 = vector.shape_cast %slice3A_205 : vector<1x8x128xf32> to vector<8x128xf32>
    %dot_general3A_207 = arith.constant dense<0.000000e+00> : vector<64x128xf32>
    %dot_general3A_208 = tpu.matmul %get3A_7, %squeeze3A_206, %dot_general3A_207 {dimension_numbers = #tpu.dot_dimension_numbers<[0], [0], [1], [1], [0, 1, 1, 1], [], []>, transpose_lhs_hint = false} : vector<8x64xf32>, vector<8x128xf32>, vector<64x128xf32> -> vector<64x128xf32>
    %slice3A_209 = vector.extract_strided_slice %get3A_4 {offsets = [51, 0, 0], sizes = [1, 8, 128], strides = [1, 1, 1]} : vector<64x8x128xf32> to vector<1x8x128xf32>
    %squeeze3A_210 = vector.shape_cast %slice3A_209 : vector<1x8x128xf32> to vector<8x128xf32>
    %dot_general3A_211 = arith.constant dense<0.000000e+00> : vector<64x128xf32>
    %dot_general3A_212 = tpu.matmul %get3A_7, %squeeze3A_210, %dot_general3A_211 {dimension_numbers = #tpu.dot_dimension_numbers<[0], [0], [1], [1], [0, 1, 1, 1], [], []>, transpose_lhs_hint = false} : vector<8x64xf32>, vector<8x128xf32>, vector<64x128xf32> -> vector<64x128xf32>
    %slice3A_213 = vector.extract_strided_slice %get3A_4 {offsets = [52, 0, 0], sizes = [1, 8, 128], strides = [1, 1, 1]} : vector<64x8x128xf32> to vector<1x8x128xf32>
    %squeeze3A_214 = vector.shape_cast %slice3A_213 : vector<1x8x128xf32> to vector<8x128xf32>
    %dot_general3A_215 = arith.constant dense<0.000000e+00> : vector<64x128xf32>
    %dot_general3A_216 = tpu.matmul %get3A_7, %squeeze3A_214, %dot_general3A_215 {dimension_numbers = #tpu.dot_dimension_numbers<[0], [0], [1], [1], [0, 1, 1, 1], [], []>, transpose_lhs_hint = false} : vector<8x64xf32>, vector<8x128xf32>, vector<64x128xf32> -> vector<64x128xf32>
    %slice3A_217 = vector.extract_strided_slice %get3A_4 {offsets = [53, 0, 0], sizes = [1, 8, 128], strides = [1, 1, 1]} : vector<64x8x128xf32> to vector<1x8x128xf32>
    %squeeze3A_218 = vector.shape_cast %slice3A_217 : vector<1x8x128xf32> to vector<8x128xf32>
    %dot_general3A_219 = arith.constant dense<0.000000e+00> : vector<64x128xf32>
    %dot_general3A_220 = tpu.matmul %get3A_7, %squeeze3A_218, %dot_general3A_219 {dimension_numbers = #tpu.dot_dimension_numbers<[0], [0], [1], [1], [0, 1, 1, 1], [], []>, transpose_lhs_hint = false} : vector<8x64xf32>, vector<8x128xf32>, vector<64x128xf32> -> vector<64x128xf32>
    %slice3A_221 = vector.extract_strided_slice %get3A_4 {offsets = [54, 0, 0], sizes = [1, 8, 128], strides = [1, 1, 1]} : vector<64x8x128xf32> to vector<1x8x128xf32>
    %squeeze3A_222 = vector.shape_cast %slice3A_221 : vector<1x8x128xf32> to vector<8x128xf32>
    %dot_general3A_223 = arith.constant dense<0.000000e+00> : vector<64x128xf32>
    %dot_general3A_224 = tpu.matmul %get3A_7, %squeeze3A_222, %dot_general3A_223 {dimension_numbers = #tpu.dot_dimension_numbers<[0], [0], [1], [1], [0, 1, 1, 1], [], []>, transpose_lhs_hint = false} : vector<8x64xf32>, vector<8x128xf32>, vector<64x128xf32> -> vector<64x128xf32>
    %slice3A_225 = vector.extract_strided_slice %get3A_4 {offsets = [55, 0, 0], sizes = [1, 8, 128], strides = [1, 1, 1]} : vector<64x8x128xf32> to vector<1x8x128xf32>
    %squeeze3A_226 = vector.shape_cast %slice3A_225 : vector<1x8x128xf32> to vector<8x128xf32>
    %dot_general3A_227 = arith.constant dense<0.000000e+00> : vector<64x128xf32>
    %dot_general3A_228 = tpu.matmul %get3A_7, %squeeze3A_226, %dot_general3A_227 {dimension_numbers = #tpu.dot_dimension_numbers<[0], [0], [1], [1], [0, 1, 1, 1], [], []>, transpose_lhs_hint = false} : vector<8x64xf32>, vector<8x128xf32>, vector<64x128xf32> -> vector<64x128xf32>
    %slice3A_229 = vector.extract_strided_slice %get3A_4 {offsets = [56, 0, 0], sizes = [1, 8, 128], strides = [1, 1, 1]} : vector<64x8x128xf32> to vector<1x8x128xf32>
    %squeeze3A_230 = vector.shape_cast %slice3A_229 : vector<1x8x128xf32> to vector<8x128xf32>
    %dot_general3A_231 = arith.constant dense<0.000000e+00> : vector<64x128xf32>
    %dot_general3A_232 = tpu.matmul %get3A_7, %squeeze3A_230, %dot_general3A_231 {dimension_numbers = #tpu.dot_dimension_numbers<[0], [0], [1], [1], [0, 1, 1, 1], [], []>, transpose_lhs_hint = false} : vector<8x64xf32>, vector<8x128xf32>, vector<64x128xf32> -> vector<64x128xf32>
    %slice3A_233 = vector.extract_strided_slice %get3A_4 {offsets = [57, 0, 0], sizes = [1, 8, 128], strides = [1, 1, 1]} : vector<64x8x128xf32> to vector<1x8x128xf32>
    %squeeze3A_234 = vector.shape_cast %slice3A_233 : vector<1x8x128xf32> to vector<8x128xf32>
    %dot_general3A_235 = arith.constant dense<0.000000e+00> : vector<64x128xf32>
    %dot_general3A_236 = tpu.matmul %get3A_7, %squeeze3A_234, %dot_general3A_235 {dimension_numbers = #tpu.dot_dimension_numbers<[0], [0], [1], [1], [0, 1, 1, 1], [], []>, transpose_lhs_hint = false} : vector<8x64xf32>, vector<8x128xf32>, vector<64x128xf32> -> vector<64x128xf32>
    %slice3A_237 = vector.extract_strided_slice %get3A_4 {offsets = [58, 0, 0], sizes = [1, 8, 128], strides = [1, 1, 1]} : vector<64x8x128xf32> to vector<1x8x128xf32>
    %squeeze3A_238 = vector.shape_cast %slice3A_237 : vector<1x8x128xf32> to vector<8x128xf32>
    %dot_general3A_239 = arith.constant dense<0.000000e+00> : vector<64x128xf32>
    %dot_general3A_240 = tpu.matmul %get3A_7, %squeeze3A_238, %dot_general3A_239 {dimension_numbers = #tpu.dot_dimension_numbers<[0], [0], [1], [1], [0, 1, 1, 1], [], []>, transpose_lhs_hint = false} : vector<8x64xf32>, vector<8x128xf32>, vector<64x128xf32> -> vector<64x128xf32>
    %slice3A_241 = vector.extract_strided_slice %get3A_4 {offsets = [59, 0, 0], sizes = [1, 8, 128], strides = [1, 1, 1]} : vector<64x8x128xf32> to vector<1x8x128xf32>
    %squeeze3A_242 = vector.shape_cast %slice3A_241 : vector<1x8x128xf32> to vector<8x128xf32>
    %dot_general3A_243 = arith.constant dense<0.000000e+00> : vector<64x128xf32>
    %dot_general3A_244 = tpu.matmul %get3A_7, %squeeze3A_242, %dot_general3A_243 {dimension_numbers = #tpu.dot_dimension_numbers<[0], [0], [1], [1], [0, 1, 1, 1], [], []>, transpose_lhs_hint = false} : vector<8x64xf32>, vector<8x128xf32>, vector<64x128xf32> -> vector<64x128xf32>
    %slice3A_245 = vector.extract_strided_slice %get3A_4 {offsets = [60, 0, 0], sizes = [1, 8, 128], strides = [1, 1, 1]} : vector<64x8x128xf32> to vector<1x8x128xf32>
    %squeeze3A_246 = vector.shape_cast %slice3A_245 : vector<1x8x128xf32> to vector<8x128xf32>
    %dot_general3A_247 = arith.constant dense<0.000000e+00> : vector<64x128xf32>
    %dot_general3A_248 = tpu.matmul %get3A_7, %squeeze3A_246, %dot_general3A_247 {dimension_numbers = #tpu.dot_dimension_numbers<[0], [0], [1], [1], [0, 1, 1, 1], [], []>, transpose_lhs_hint = false} : vector<8x64xf32>, vector<8x128xf32>, vector<64x128xf32> -> vector<64x128xf32>
    %slice3A_249 = vector.extract_strided_slice %get3A_4 {offsets = [61, 0, 0], sizes = [1, 8, 128], strides = [1, 1, 1]} : vector<64x8x128xf32> to vector<1x8x128xf32>
    %squeeze3A_250 = vector.shape_cast %slice3A_249 : vector<1x8x128xf32> to vector<8x128xf32>
    %dot_general3A_251 = arith.constant dense<0.000000e+00> : vector<64x128xf32>
    %dot_general3A_252 = tpu.matmul %get3A_7, %squeeze3A_250, %dot_general3A_251 {dimension_numbers = #tpu.dot_dimension_numbers<[0], [0], [1], [1], [0, 1, 1, 1], [], []>, transpose_lhs_hint = false} : vector<8x64xf32>, vector<8x128xf32>, vector<64x128xf32> -> vector<64x128xf32>
    %slice3A_253 = vector.extract_strided_slice %get3A_4 {offsets = [62, 0, 0], sizes = [1, 8, 128], strides = [1, 1, 1]} : vector<64x8x128xf32> to vector<1x8x128xf32>
    %squeeze3A_254 = vector.shape_cast %slice3A_253 : vector<1x8x128xf32> to vector<8x128xf32>
    %dot_general3A_255 = arith.constant dense<0.000000e+00> : vector<64x128xf32>
    %dot_general3A_256 = tpu.matmul %get3A_7, %squeeze3A_254, %dot_general3A_255 {dimension_numbers = #tpu.dot_dimension_numbers<[0], [0], [1], [1], [0, 1, 1, 1], [], []>, transpose_lhs_hint = false} : vector<8x64xf32>, vector<8x128xf32>, vector<64x128xf32> -> vector<64x128xf32>
    %slice3A_257 = vector.extract_strided_slice %get3A_4 {offsets = [63, 0, 0], sizes = [1, 8, 128], strides = [1, 1, 1]} : vector<64x8x128xf32> to vector<1x8x128xf32>
    %squeeze3A_258 = vector.shape_cast %slice3A_257 : vector<1x8x128xf32> to vector<8x128xf32>
    %dot_general3A_259 = arith.constant dense<0.000000e+00> : vector<64x128xf32>
    %dot_general3A_260 = tpu.matmul %get3A_7, %squeeze3A_258, %dot_general3A_259 {dimension_numbers = #tpu.dot_dimension_numbers<[0], [0], [1], [1], [0, 1, 1, 1], [], []>, transpose_lhs_hint = false} : vector<8x64xf32>, vector<8x128xf32>, vector<64x128xf32> -> vector<64x128xf32>
    %concatenate3A = tpu.concatenate %dot_general3A_8, %dot_general3A_12, %dot_general3A_16, %dot_general3A_20, %dot_general3A_24, %dot_general3A_28, %dot_general3A_32, %dot_general3A_36, %dot_general3A_40, %dot_general3A_44, %dot_general3A_48, %dot_general3A_52, %dot_general3A_56, %dot_general3A_60, %dot_general3A_64, %dot_general3A_68, %dot_general3A_72, %dot_general3A_76, %dot_general3A_80, %dot_general3A_84, %dot_general3A_88, %dot_general3A_92, %dot_general3A_96, %dot_general3A_100, %dot_general3A_104, %dot_general3A_108, %dot_general3A_112, %dot_general3A_116, %dot_general3A_120, %dot_general3A_124, %dot_general3A_128, %dot_general3A_132, %dot_general3A_136, %dot_general3A_140, %dot_general3A_144, %dot_general3A_148, %dot_general3A_152, %dot_general3A_156, %dot_general3A_160, %dot_general3A_164, %dot_general3A_168, %dot_general3A_172, %dot_general3A_176, %dot_general3A_180, %dot_general3A_184, %dot_general3A_188, %dot_general3A_192, %dot_general3A_196, %dot_general3A_200, %dot_general3A_204, %dot_general3A_208, %dot_general3A_212, %dot_general3A_216, %dot_general3A_220, %dot_general3A_224, %dot_general3A_228, %dot_general3A_232, %dot_general3A_236, %dot_general3A_240, %dot_general3A_244, %dot_general3A_248, %dot_general3A_252, %dot_general3A_256, %dot_general3A_260 in 1 : vector<64x128xf32>, vector<64x128xf32>, vector<64x128xf32>, vector<64x128xf32>, vector<64x128xf32>, vector<64x128xf32>, vector<64x128xf32>, vector<64x128xf32>, vector<64x128xf32>, vector<64x128xf32>, vector<64x128xf32>, vector<64x128xf32>, vector<64x128xf32>, vector<64x128xf32>, vector<64x128xf32>, vector<64x128xf32>, vector<64x128xf32>, vector<64x128xf32>, vector<64x128xf32>, vector<64x128xf32>, vector<64x128xf32>, vector<64x128xf32>, vector<64x128xf32>, vector<64x128xf32>, vector<64x128xf32>, vector<64x128xf32>, vector<64x128xf32>, vector<64x128xf32>, vector<64x128xf32>, vector<64x128xf32>, vector<64x128xf32>, vector<64x128xf32>, vector<64x128xf32>, vector<64x128xf32>, vector<64x128xf32>, vector<64x128xf32>, vector<64x128xf32>, vector<64x128xf32>, vector<64x128xf32>, vector<64x128xf32>, vector<64x128xf32>, vector<64x128xf32>, vector<64x128xf32>, vector<64x128xf32>, vector<64x128xf32>, vector<64x128xf32>, vector<64x128xf32>, vector<64x128xf32>, vector<64x128xf32>, vector<64x128xf32>, vector<64x128xf32>, vector<64x128xf32>, vector<64x128xf32>, vector<64x128xf32>, vector<64x128xf32>, vector<64x128xf32>, vector<64x128xf32>, vector<64x128xf32>, vector<64x128xf32>, vector<64x128xf32>, vector<64x128xf32>, vector<64x128xf32>, vector<64x128xf32>, vector<64x128xf32> -> vector<64x8192xf32>
    %get3A_261 = arith.constant 0 : index
    %get3A_262 = arith.constant 0 : index
    %get3A_263 = vector.load %arg4[%get3A_261, %get3A_262] : memref<64x1xf32, #tpu.memory_space<vmem>>, vector<64x1xf32>
    %add3A = vector.broadcast %get3A_263 : vector<64x1xf32> to vector<64x8192xf32>
    %add3A_264 = arith.addf %concatenate3A, %add3A : vector<64x8192xf32>
    %max3A = arith.constant 0.000000e+00 : f32
    %max3A_265 = vector.broadcast %max3A : f32 to vector<64x8192xf32>
    %max3A_266 = arith.maximumf %add3A_264, %max3A_265 : vector<64x8192xf32>
    %get3A_267 = arith.constant 0 : index
    %get3A_268 = arith.constant 0 : index
    %get3A_269 = vector.load %arg5[%get3A_267, %get3A_268] : memref<64x128xf32, #tpu.memory_space<vmem>>, vector<64x128xf32>
    %dot_general3A_270 = arith.constant dense<0.000000e+00> : vector<128x8192xf32>
    %dot_general3A_271 = tpu.matmul %get3A_269, %max3A_266, %dot_general3A_270 {dimension_numbers = #tpu.dot_dimension_numbers<[0], [0], [1], [1], [0, 1, 1, 1], [], []>, transpose_lhs_hint = false} : vector<64x128xf32>, vector<64x8192xf32>, vector<128x8192xf32> -> vector<128x8192xf32>
    %get3A_272 = arith.constant 0 : index
    %get3A_273 = arith.constant 0 : index
    %get3A_274 = vector.load %arg6[%get3A_272, %get3A_273] : memref<128x1xf32, #tpu.memory_space<vmem>>, vector<128x1xf32>
    %add3A_275 = vector.broadcast %get3A_274 : vector<128x1xf32> to vector<128x8192xf32>
    %add3A_276 = arith.addf %dot_general3A_271, %add3A_275 : vector<128x8192xf32>
    %max3A_277 = arith.constant 0.000000e+00 : f32
    %max3A_278 = vector.broadcast %max3A_277 : f32 to vector<128x8192xf32>
    %max3A_279 = arith.maximumf %add3A_276, %max3A_278 : vector<128x8192xf32>
    %get3A_280 = arith.constant 0 : index
    %get3A_281 = arith.constant 0 : index
    %get3A_282 = vector.load %arg7[%get3A_280, %get3A_281] : memref<128x128xf32, #tpu.memory_space<vmem>>, vector<128x128xf32>
    %dot_general3A_283 = arith.constant dense<0.000000e+00> : vector<128x8192xf32>
    %dot_general3A_284 = tpu.matmul %get3A_282, %max3A_279, %dot_general3A_283 {dimension_numbers = #tpu.dot_dimension_numbers<[0], [0], [1], [1], [0, 1, 1, 1], [], []>, transpose_lhs_hint = false} : vector<128x128xf32>, vector<128x8192xf32>, vector<128x8192xf32> -> vector<128x8192xf32>
    %get3A_285 = arith.constant 0 : index
    %get3A_286 = arith.constant 0 : index
    %get3A_287 = vector.load %arg8[%get3A_285, %get3A_286] : memref<128x1xf32, #tpu.memory_space<vmem>>, vector<128x1xf32>
    %add3A_288 = vector.broadcast %get3A_287 : vector<128x1xf32> to vector<128x8192xf32>
    %add3A_289 = arith.addf %dot_general3A_284, %add3A_288 : vector<128x8192xf32>
    %reshape3A = vector.shape_cast %add3A_289 : vector<128x8192xf32> to vector<128x32x256xf32>
    %swap3A = arith.constant 0 : index
    %swap3A_290 = arith.constant 0 : index
    %swap3A_291 = arith.constant 0 : index
    %swap3A_292 = arith.constant 0 : index
    %swap3A_293 = vector.load %arg9[%swap3A, %swap3A_290, %swap3A_291, %swap3A_292] : memref<1x128x32x256xf32, #tpu.memory_space<vmem>>, vector<1x128x32x256xf32>
    %swap3A_294 = vector.shape_cast %swap3A_293 : vector<1x128x32x256xf32> to vector<128x32x256xf32>
    %swap3A_295 = vector.shape_cast %reshape3A : vector<128x32x256xf32> to vector<1x128x32x256xf32>
    tpu.vector_store %arg9[%swap3A, %swap3A_290, %swap3A_291, %swap3A_292], %swap3A_295 {strides = array<i32>} : memref<1x128x32x256xf32, #tpu.memory_space<vmem>>, vector<1x128x32x256xf32>,
    return
  }
  func.func @transform_0(%arg0: i32, %arg1: i32) -> (i32, i32, i32, i32) {
    %c0_i32 = arith.constant 0 : i32
    %c0_i32_0 = arith.constant 0 : i32
    %c0_i32_1 = arith.constant 0 : i32
    return %arg0, %arg1, %c0_i32, %c0_i32_0 : i32, i32, i32, i32
  }
  func.func @transform_1(%arg0: i32, %arg1: i32) -> (i32, i32) {
    %c0_i32 = arith.constant 0 : i32
    %c0_i32_0 = arith.constant 0 : i32
    %c0_i32_1 = arith.constant 0 : i32
    return %c0_i32, %c0_i32_0 : i32, i32
  }
  func.func @transform_2(%arg0: i32, %arg1: i32) -> (i32, i32) {
    %c0_i32 = arith.constant 0 : i32
    %c0_i32_0 = arith.constant 0 : i32
    %c0_i32_1 = arith.constant 0 : i32
    return %c0_i32, %c0_i32_0 : i32, i32
  }
  func.func @transform_3(%arg0: i32, %arg1: i32) -> (i32, i32) {
    %c0_i32 = arith.constant 0 : i32
    %c0_i32_0 = arith.constant 0 : i32
    %c0_i32_1 = arith.constant 0 : i32
    return %c0_i32, %c0_i32_0 : i32, i32
  }
  func.func @transform_4(%arg0: i32, %arg1: i32) -> (i32, i32) {
    %c0_i32 = arith.constant 0 : i32
    %c0_i32_0 = arith.constant 0 : i32
    %c0_i32_1 = arith.constant 0 : i32
    return %c0_i32, %c0_i32_0 : i32, i32
  }
  func.func @transform_5(%arg0: i32, %arg1: i32) -> (i32, i32) {
    %c0_i32 = arith.constant 0 : i32
    %c0_i32_0 = arith.constant 0 : i32
    %c0_i32_1 = arith.constant 0 : i32
    return %c0_i32, %c0_i32_0 : i32, i32
  }
  func.func @transform_6(%arg0: i32, %arg1: i32) -> (i32, i32) {
    %c0_i32 = arith.constant 0 : i32
    %c0_i32_0 = arith.constant 0 : i32
    %c0_i32_1 = arith.constant 0 : i32
    return %c0_i32, %c0_i32_0 : i32, i32
  }
  func.func @transform_7(%arg0: i32, %arg1: i32) -> (i32, i32, i32, i32) {
    %c0_i32 = arith.constant 0 : i32
    %c0_i32_0 = arith.constant 0 : i32
    %c0_i32_1 = arith.constant 0 : i32
    return %arg0, %c0_i32, %arg1, %c0_i32_0 : i32, i32, i32, i32
  }
}

</mosaic_0001>

<sc_bundles>
// kernel: kernel.4.cloned.1.call-start
scs
__scs_entry_jumppad:
0x0: {  	(pc) =	sbr.rel $0x88, $3  }
0x1: {  	(tag) =	ssettag $0x0;
	lr =	simm.s32 $0x1  }
0x2: {  	[smem:$0x3F9A] =	sst lr;
	_ =	strace $0xD0000000  }
0x3: {  	_ = 	snop  }
0x4: {  	_ = 	snop  }
0x5: {  	_ = 	snop  }
0x6: {  	_ = 	snop  }
0x7: {  	_ = 	snop  }
__scs_overlays_trampoline_lowered:
0x8: {  	[smem:$0x3FA9] =	sst s0  }
0x9: {  	[smem:$0x3FAA] =	sst s1  }
0xa: {  	[smem:$0x3FAB] =	sst s2  }
0xb: {  	[smem:$0x3FAC] =	sst s3  }
0xc: {  	[smem:$0x3FAD] =	sst s4  }
0xd: {  	[smem:$0x3FAE] =	sst s5  }
0xe: {  	[smem:$0x3FAF] =	sst s6  }
0xf: {  	[smem:$0x3FB0] =	sst s7  }
0x10: {  	[smem:$0x3FB1] =	sst s8  }
0x11: {  	[smem:$0x3FB2] =	sst s9;
	s0 =	simm.s32 @!p0 $0x0  }
0x12: {  	s1 =	sld [smem:$0x3F98];
	s0 =	simm.s32 @p0 $0x1  }
0x13: {  	[smem:$0x3FB3] =	sst s0;
	s0 =	simm.s32 @!p1 $0x0  }
0x14: {  	s2 =	sld [smem:$0x3F97];
	s0 =	simm.s32 @p1 $0x1  }
0x15: {  	[smem:$0x3FB4] =	sst s0;
	s0 =	simm.s32 @!p2 $0x0  }
0x16: {  	s3 =	sld [smem:$0x3FDB];
	s0 =	simm.s32 @p2 $0x1  }
0x17: {  	s4 =	simm.s32 $0x1BF5;
	[smem:$0x3FB6] =	sst s0  }
0x18: {  	s0 =	sld [smem:$0x3F99];
	_ =	swait.ge [sflag:s4], $0x0  }
0x19: {  	s7 =	sld [smem:$0x3F9A]  }
0x1a: {  	s8 =	sadd.s32 $0xFFFFE003, lr  }
0x1b: {  	s9 =	sadd.s32 $0xFFFFFEF7, lr;
	s5 =	simm.s32 $0xFFFFFFFF;
	p2 =	slt.u32 s8, $0xFFFFF086  }
0x1c: {  	p1 =	slt.u32 s9, $0xF7A;
	s5 =	simm.s32 @!p2 $0x0  }
0x1d: {  	s5 =	simm.s32 @p1 $0x1;
	p0 =	seq.s32 s7, s2  }
0x1e: {  	s7 =	smul.u32 @!p0 $0xF7A, s2;
	p2 =	seq.s32 @!p0 s5, $0x0  }
0x1f: {  	s9 =	smul.u32 $0xF7A, s1;
	s8 =	simm.s32 @!p0 $0x1BF5;
	p2 =	por !p2, p0  }
0x20: {  	[sflag:s8] =	ssyncset.s32 @!p0 $0xFFFFF086;
	s6 =	sadd.s32 @!p0 s3, s7;
	s7 =	simm.s32 @!p0 $0x108  }
0x21: {  	s3 =	sadd.s32 s3, s9;
	s6 =	sadd.s32 @!p0 $0x88, s6;
	s7 =	simm.s32 @p2 $0x1082  }
0x22: {  	[simem:s7], [sflag:s8] =	dma.local @!p0 [hbm:s6], $0xF7A  }
0x23: {  	s9 =	sor.u32 $0xD0000000, s2;
	s6 =	simm.s32 $0x108;
	_ =	swait.ge @!p0 [sflag:s8], $0x0  }
0x24: {  	s3 =	sadd.s32 $0x88, s3;
	s6 =	simm.s32 @!p1 $0x1082;
	[sflag:s4] =	ssyncset.s32 $0xFFFFF086  }
0x25: {  	[simem:s6], [sflag:s4] =	dma.local [hbm:s3], $0xF7A  }
0x26: {  	[smem:$0x3F9A] =	sst s1;
	(tag) =	ssettag s2;
	_ =	strace s9  }
0x27: {  	s1 =	sld [smem:$0x3FAA]  }
0x28: {  	s2 =	sld [smem:$0x3FAB]  }
0x29: {  	s4 =	sld [smem:$0x3FAD]  }
0x2a: {  	p0 =	seq.s32 s5, $0x0;
	s5 =	sld [smem:$0x3FAE]  }
0x2b: {  	s6 =	sld [smem:$0x3FAF]  }
0x2c: {  	s7 =	sld [smem:$0x3FB0]  }
0x2d: {  	s3 =	simm.s32 $0x108;
	s8 =	sld [smem:$0x3FB1]  }
0x2e: {  	s3 =	simm.s32 @!p0 $0x1082;
	s9 =	sld [smem:$0x3FB2]  }
0x2f: {  	lr =	sadd.s32 s0, s3;
	s0 =	sld [smem:$0x3FA9]  }
0x30: {  	s3 =	sld [smem:$0x3FAC]  }
0x31: {  	[smem:$0x3FB5] =	sst s10  }
0x32: {  	s10 =	sld [smem:$0x3FB3];
	_ =	sdelay $0x3  }
0x33: {  	p0 =	seq.s32 s10, $0x1;
	s10 =	sld [smem:$0x3FB5];
	_ =	sdelay $0x3  }
0x34: {  	[smem:$0x3FB5] =	sst s10  }
0x35: {  	s10 =	sld [smem:$0x3FB4];
	_ =	sdelay $0x3  }
0x36: {  	p1 =	seq.s32 s10, $0x1;
	s10 =	sld [smem:$0x3FB5];
	_ =	sdelay $0x3  }
0x37: {  	[smem:$0x3FB5] =	sst s10  }
0x38: {  	s10 =	sld [smem:$0x3FB6]  }
0x39: {  	_ = 	snop;
	(pc) =	sbr.ind lr, $3  }
0x3a: {  	_ = 	snop  }
0x3b: {  	_ = 	snop  }
0x3c: {  	p2 =	seq.s32 s10, $0x1;
	s10 =	sld [smem:$0x3FB5]  }
0x3d: {  	_ =	shalt  }
0x3e: {  	_ =	shalt  }
0x3f: {  	_ =	shalt  }
0x40: {  	_ =	shalt  }
0x41: {  	_ =	shalt  }
0x42: {  	_ =	shalt  }
0x43: {  	_ =	shalt  }
0x44: {  	_ =	shalt  }
0x45: {  	_ =	shalt  }
0x46: {  	_ =	shalt  }
0x47: {  	_ =	shalt  }
0x48: {  	_ =	shalt  }
0x49: {  	_ =	shalt  }
0x4a: {  	_ =	shalt  }
0x4b: {  	_ =	shalt  }
0x4c: {  	_ =	shalt  }
0x4d: {  	_ =	shalt  }
0x4e: {  	_ =	shalt  }
0x4f: {  	_ =	shalt  }
0x50: {  	_ =	shalt  }
0x51: {  	_ =	shalt  }
0x52: {  	_ =	shalt  }
0x53: {  	_ =	shalt  }
0x54: {  	_ =	shalt  }
0x55: {  	_ =	shalt  }
0x56: {  	_ =	shalt  }
0x57: {  	_ =	shalt  }
0x58: {  	_ =	shalt  }
0x59: {  	_ =	shalt  }
0x5a: {  	_ =	shalt  }
0x5b: {  	_ =	shalt  }
0x5c: {  	_ =	shalt  }
0x5d: {  	_ =	shalt  }
0x5e: {  	_ =	shalt  }
0x5f: {  	_ =	shalt  }
0x60: {  	_ =	shalt  }
0x61: {  	_ =	shalt  }
0x62: {  	_ =	shalt  }
0x63: {  	_ =	shalt  }
0x64: {  	_ =	shalt  }
0x65: {  	_ =	shalt  }
0x66: {  	_ =	shalt  }
0x67: {  	_ =	shalt  }
0x68: {  	_ =	shalt  }
0x69: {  	_ =	shalt  }
0x6a: {  	_ =	shalt  }
0x6b: {  	_ =	shalt  }
0x6c: {  	_ =	shalt  }
0x6d: {  	_ =	shalt  }
0x6e: {  	_ =	shalt  }
0x6f: {  	_ =	shalt  }
0x70: {  	_ =	shalt  }
0x71: {  	_ =	shalt  }
0x72: {  	_ =	shalt  }
0x73: {  	_ =	shalt  }
0x74: {  	_ =	shalt  }
0x75: {  	_ =	shalt  }
0x76: {  	_ =	shalt  }
0x77: {  	_ =	shalt  }
0x78: {  	_ =	shalt  }
0x79: {  	_ =	shalt  }
0x7a: {  	_ =	shalt  }
0x7b: {  	_ =	shalt  }
0x7c: {  	_ =	shalt  }
0x7d: {  	_ =	shalt  }
0x7e: {  	_ =	shalt  }
0x7f: {  	_ =	shalt  }
0x80: {  	_ =	shalt  }
0x81: {  	_ =	shalt  }
0x82: {  	_ =	shalt  }
0x83: {  	_ =	shalt  }
0x84: {  	_ =	shalt  }
0x85: {  	_ =	shalt  }
0x86: {  	_ =	shalt  }
0x87: {  	_ =	shalt  }
.Lfunc_end0:
.L_simem_size_0:
called_computation_lowered:
.L_overlay_start_0:
0x88: {  	s2 =	sld [smem:$0x3FD9]  }
0x89: {  	s3 =	sld [smem:$0x3FFE];
	_ =	sdelay $0x1  }
0x8a: {  	s1 =	srdreg.scid  }
0x8b: {  	s0 =	sand.u32 $0x1, s1  }
0x8c: {  	s17 =	sshll.u32 s0, $0xA;
	s2 =	sadd.s32 s3, s2  }
0x8d: {  	s2 =	sadd.s32 s2, s17  }
0x8e: {  	[smem:$0x3FC1] =	sst s2  }
0x8f: {  	_ = 	snop  }
0x90: {  	s2 =	sld [smem:$0x3FD0];
	(tm) =	ssettm $0x1  }
0x91: {  	s18 =	sld [smem:$0x3FFB];
	_ =	sdelay $0x3  }
0x92: {  	_ =	strace s18  }
0x93: {  	s3 =	sld [smem:$0x3FFC];
	_ =	sdelay $0x3  }
0x94: {  	_ =	strace s3  }
0x95: {  	s3 =	sld [smem:$0x3FFD];
	_ =	sdelay $0x3  }
0x96: {  	_ =	strace s3  }
0x97: {  	_ =	strace $0x8FFFFFFF  }
0x98: {  	s19 =	sld [smem:$0x3FDB];
	_ =	sdelay $0x1  }
0x99: {  	s4 =	simm.s32 $_scs_section_size  }
0x9a: {  	s5 =	simm.s32 $_size__tile_overlayer_lowered;
	s6 =	simm.s32 $_tile_overlayer_lowered  }
0x9b: {  	s22 =	simm.s32 $0x1BFF;
	s21 =	sshll.u32 s6, $0x1;
	s3 =	sadd.s32 s4, s19  }
0x9c: {  	s7 =	simm.s32 $0x0;
	s20 =	sshll.u32 s5, $0x1;
	s5 =	sadd.s32 s21, s3  }
0x9d: {  	[timem:s7], [sflag:s22] =	dma.local [hbm:s5], s20  }
0x9e: {  	_ =	swait.ge [sflag:s22], s20  }
0x9f: {  	s4 =	ssub.s32 $0x0, s20;
	[sflag:s22] =	ssyncset.done $0x0  }
0xa0: {  	[sflag:s22] =	ssyncadd.s32 s4;
	_ =	sdelay $0x1  }
0xa1: {  	s23 =	simm.s32 $0x1B8B  }
0xa2: {  	_ =	swait.ge [sflag:s23], $0x1  }
0xa3: {  	[sflag:s23] =	ssyncset.done $0x0  }
0xa4: {  	s25 =	simm.s32 $0x1B8E;
	s24 =	sld [smem:$0x3FFE];
	[sflag:s23] =	ssyncadd.s32 $0xFFFFFFFF  }
0xa5: {  	s26 =	simm.s32 $execute0_lowered;
	[smem:$0x3FD2] =	sst s25  }
0xa6: {  	s5 =	sshll.u32 s26, $0x1;
	_ =	strace $0x80000046;
	[dreg:$0x1] =	wrdreg $0xFFFFFFFF  }
0xa7: {  	s28 =	simm.s32 $_size_execute0_lowered;
	s3 =	sadd.s32 s3, s5;
	[dreg:$0x0] =	wrdreg $0x0  }
0xa8: {  	s5 =	sshll.u32 s28, $0x1;
	[dreg:$0x2] =	wrdreg s3  }
0xa9: {  	[dreg:$0x3] =	wrdreg s5  }
0xaa: {  	[dreg:$0x4] =	wrdreg $0xC0  }
0xab: {  	_ =	task [dreg:s7], $0x5FFFF  }
0xac: {  	[dreg:$0x1] =	wrdreg $0xFFFFFFFF  }
0xad: {  	[dreg:$0x0] =	wrdreg $0x60  }
0xae: {  	[dreg:$0x2] =	wrdreg s24  }
0xaf: {  	[dreg:$0x3] =	wrdreg s2  }
0xb0: {  	[dreg:$0x4] =	wrdreg $0xAFE00  }
0xb1: {  	[dreg:$0x5] =	wrdreg $0x9  }
0xb2: {  	_ =	task.clear_ibuf [dreg:s7], $0x6FFFF;
	_ =	strace $0x90000046  }
0xb3: {  	s29 =	simm.s32 $0x9;
	_ =	strace $0x80000048  }
0xb4: {  	_ =	swait.ge [sflag:s29], $0x1  }
0xb5: {  	[sflag:s29] =	ssyncadd.s32 $0xFFFFFFFF  }
0xb6: {  	_ =	strace $0x90000048  }
0xb7: {  	_ =	sfence  }
0xb8: {  	s30 =	sld [smem:$0x0];
	_ =	sdelay $0x2  }
0xb9: {  	s31 =	sshll.u32 s1, $0xD;
	s1 =	sshrl.u32 s1, $0x2  }
0xba: {  	s3 =	sand.u32 $0x4000, s31;
	s1 =	sadd.s32 s1, s30  }
0xbb: {  	s0 =	sor.u32 s3, s0;
	s1 =	sshll.u32 s1, $0x11  }
0xbc: {  	s0 =	sor.u32 s1, s0  }
0xbd: {  	s0 =	sadd.s32 $0x8F2B, s0  }
0xbe: {  	[sflag:s0] =	ssyncadd.remote.s32 $0x1  }
0xbf: {  	_ =	sfence.sel $0xFFFF  }
0xc0: {  	[dreg:$0x0] =	wrdreg $0xFFFFFFFF;
	(pc) =	sbr.abs _section_cstart, $3  }
0xc1: {  	[dreg:$0x1] =	wrdreg $0xFFFFFFFF  }
0xc2: {  	_ =	task.clear_ibuf [dreg:s7], $0x2FFFF;
	_ =	strace $0x9FFFFFFF  }
0xc3: {  	(tm) =	ssettm $0x7FFFFFFF  }
tec
execute0_lowered:
.L_overlay_start_1:
0x0: {  	(tag) =	ssettag $0x1  }
0x1: {  	s4 =	rddreg [dreg:$0x0]  }
0x2: {  	s1 =	srdreg.scid;
	s8 =	rddreg [dreg:$0x1]  }
0x3: {  	s0 =	stileid.u32;
	s2 =	rddreg [dreg:$0x2]  }
0x4: {  	s3 =	simm.s32 $0x0;
	s12 =	simm.s32 $0x1;
	s13 =	simm.s32 $0x2  }
0x5: {  	s14 =	simm.s32 $0x3;
	s19 =	simm.s32 $0x7540;
	s20 =	simm.s32 $0x9290  }
0x6: {  	s21 =	simm.s32 $0x0;
	s1 =	sand.u32 $0x1, s1;
	s5 =	smul.u32 $0x1D4C, s0  }
0x7: {  	[smem:$0x7FF] =	sst s3;
	s11 =	sshll.u32 s0, $0xF;
	s31 =	sshll.u32 s0, $0x6  }
0x8: {  	s6 =	smul.u32 $0x57E40, s1;
	s29 =	ssub.s32 $0x2, s1;
	_ =	strace $0x80000047  }
0x9: {  	s1 =	sshll.u32 s1, $0x13;
	s18 =	sadd.s32 s11, s2;
	s15 =	sor.u32 $0x1C04, s31  }
0xa: {  	s7 =	sand.u32 $0x1FFF8, s5;
	s30 =	sshrl.u32 s29, $0x1;
	s16 =	sand.u32 $0x4, s5  }
0xb: {  	s1 =	sor.u32 s11, s1;
	s11 =	simm.s32 $0x3AA0;
	s6 =	sadd.s32 s6, s7  }
0xc: {  	s10 =	ssub.s32 s29, s30;
	s17 =	sadd.s32 $0xC, s16;
	s1 =	sshrl.u32 s1, $0x3  }
0xd: {  	v1 =	vmov s16;
	s16 =	sshrl.u32 s18, $0x3;
	s18 =	simm.s32 $0x57F0;
	s6 =	sshrl.u32 s6, $0x3  }
0xe: {  	v0 =	vlaneseq.u32;
	s8 =	sadd.s32 s8, s1;
	v2 =	vmov s17;
	s17 =	simm.s32 $0x4;
	s9 =	sadd.s32 s6, s4  }
0xf: {  	v3 =	vadd.s32 $0x1, v0;
	s4 =	sadd.s32 $0x17200, s4;
	s5 =	sadd.s32 $0x1200, s9;
	s6 =	sadd.s32 $0x4C98, s9  }
0x10: {  	vm1 =	vgt.u32 v1, v0;
	vm0 =	vlt.u32 v2, v3;
	s7 =	sadd.s32 $0x8730, s9;
	s9 =	smax.u32 s10, $0x1;
	s10 =	simm.s32 $0x1D50  }
.LBB2_1:
0x11: {  	[tilespmem:s3], [sflag:$0x1] =	stream.linear.gather [hbm4b:s5+s3], $0x1D50, $0x38;
	[tilespmem:$0x12FE0] =	vst v63  }
0x12: {  	_ = 	snop  }
0x13: {  	[tilespmem:s10], [sflag:$0x2] =	stream.linear.gather [hbm4b:s6+s3], $0x1D50, $0x38;
	[tilespmem:$0x12FE0] =	vst v63  }
0x14: {  	_ = 	snop  }
0x15: {  	[tilespmem:s11], [sflag:$0x3] =	stream.linear.gather [hbm4b:s7+s3], $0x1D50, $0x38;
	[tilespmem:$0x12FE0] =	vst v63  }
0x16: {  	_ =	swait.ge [sflag:s12], $0x1D50  }
0x17: {  	[sflag:s12] =	ssyncset.done $0x0  }
0x18: {  	[sflag:s12] =	ssyncadd.s32 $0xFFFFE2B0  }
0x19: {  	_ =	swait.ge [sflag:s13], $0x1D50  }
0x1a: {  	[sflag:s13] =	ssyncset.done $0x0  }
0x1b: {  	[sflag:s13] =	ssyncadd.s32 $0xFFFFE2B0  }
0x1c: {  	_ =	swait.ge [sflag:s14], $0x1D50  }
0x1d: {  	[sflag:s14] =	ssyncset.done $0x0  }
0x1e: {  	[sflag:s14] =	ssyncadd.s32 $0xFFFFE2B0  }
0x1f: {  	v0 =	vld [tilespmem:$0x0]  }
0x20: {  	v1 =	vld [tilespmem:$0x1D50]  }
0x21: {  	v2 =	vld [tilespmem:$0x3AA0]  }
0x22: {  	v3 =	vld [tilespmem:$0x1D40]  }
0x23: {  	v4 =	vld [tilespmem:$0x3A90]  }
0x24: {  	v5 =	vld [tilespmem:$0x57E0];
	v0 =	vsel vm1, $0x0, v0  }
0x25: {  	[tilespmem:$0x0] =	vst v0;
	v0 =	vsel vm1, $0x0, v1  }
0x26: {  	[tilespmem:$0x1D50] =	vst v0;
	v0 =	vsel vm1, $0x0, v2  }
0x27: {  	[tilespmem:$0x3AA0] =	vst v0;
	v0 =	vsel vm0, $0x0, v3  }
0x28: {  	[tilespmem:$0x1D40] =	vst v0;
	v0 =	vsel vm0, $0x0, v4  }
0x29: {  	[tilespmem:$0x3A90] =	vst v0;
	v0 =	vsel vm0, $0x0, v5  }
0x2a: {  	[tilespmem:$0x57E0] =	vst v0  }
0x2b: {  	[spmem:s16], [sflag:s15] =	dma.local [hbm:s4], $0x1000  }
0x2c: {  	_ =	swait.ge [sflag:s17], $0x1000  }
0x2d: {  	[sflag:s17] =	ssyncset.done $0x0  }
0x2e: {  	[sflag:s17] =	ssyncadd.s32 $0xFFFFF000  }
0x2f: {  	s1 =	simm.s32 $0x1D90;
	[bflag:$0x0] =	sbarrier.arrive $0xFFFF  }
0x30: {  	v0 =	vld [tilespmem:s1+$0xFFFFFFC0]  }
0x31: {  	v2 =	vld [tilespmem:s1+$0x10]  }
0x32: {  	s22 =	simm.s32 $0x40;
	v1 =	vld [tilespmem:s1+$0x30]  }
0x33: {  	v3 =	vld [tilespmem:s22+$0x30]  }
0x34: {  	v5 =	vld [tilespmem:s1+$0x0]  }
0x35: {  	v6 =	vld [tilespmem:s22+$0xFFFFFFD0]  }
0x36: {  	v7 =	vld [tilespmem:s22+$0x10]  }
0x37: {  	v8 =	vld [tilespmem:s22+$0x20]  }
0x38: {  	v10 =	vld [tilespmem:s1+$0xFFFFFFF0]  }
0x39: {  	v12 =	vld [tilespmem:s22+$0xFFFFFFE0]  }
0x3a: {  	v15 =	vld [tilespmem:s22+$0x0];
	v0 =	vmul.f32 $2.560000000e+02, v0;
	v1 =	vmul.f32 $2.560000000e+02, v1  }
0x3b: {  	v4 =	vld [tilespmem:s1+$0x20];
	v3 =	vmul.f32 $2.560000000e+02, v3;
	v5 =	vmul.f32 $2.560000000e+02, v5  }
0x3c: {  	v6 =	vmul.f32 $2.560000000e+02, v6;
	v7 =	vmul.f32 $2.560000000e+02, v7  }
0x3d: {  	v2 =	vmul.f32 $2.560000000e+02, v2;
	v8 =	vmul.f32 $2.560000000e+02, v8  }
0x3e: {  	v10 =	vmul.f32 $2.560000000e+02, v10;
	v12 =	vmul.f32 $2.560000000e+02, v12  }
0x3f: {  	v15 =	vmul.f32 $2.560000000e+02, v15;
	v0 =	vtrunc.f32 v0  }
0x40: {  	v9 =	vtrunc.f32 v1;
	v1 =	vmul.f32 $2.560000000e+02, v4  }
0x41: {  	v3 =	vtrunc.f32 v3;
	v5 =	vtrunc.f32 v5  }
0x42: {  	v7 =	vtrunc.f32 v7;
	v2 =	vtrunc.f32 v2  }
0x43: {  	v11 =	vld [tilespmem:s22+$0xFFFFFFF0];
	v10 =	vtrunc.f32 v10;
	v6 =	vtrunc.f32 v6  }
0x44: {  	v12 =	vtrunc.f32 v12;
	v0 =	vcvt.f32.s32 v0  }
0x45: {  	v4 =	vld [tilespmem:s1+$0xFFFFFFD0];
	v3 =	vcvt.f32.s32 v3;
	v9 =	vcvt.f32.s32 v9  }
0x46: {  	v14 =	vcvt.f32.s32 v2;
	v2 =	vtrunc.f32 v8  }
0x47: {  	v7 =	vcvt.f32.s32 v7;
	v5 =	vcvt.f32.s32 v5;
	v13 =	vshll.u32 v3, $0x3  }
0x48: {  	v3 =	vand.u32 $0x7F, v3;
	v8 =	vshll.u32 v9, $0xB;
	v9 =	vmul.f32 $2.560000000e+02, v11;
	v11 =	vld [tilespmem:s1+$0xFFFFFFE0]  }
0x49: {  	v14 =	vshll.u32 v14, $0xB;
	v0 =	vshll.u32 v0, $0xB;
	v16 =	vand.u32 $0x7F, v7  }
0x4a: {  	v5 =	vshll.u32 v5, $0xB;
	v8 =	vadd.s32 v13, v8;
	v4 =	vmul.f32 $2.560000000e+02, v4  }
0x4b: {  	v13 =	vtrunc.f32 v9;
	v9 =	vshll.u32 v7, $0x3;
	v7 =	vld [tilespmem:s22+$0xFFFFFFC0];
	v8 =	vand.u32 $0xFFFFFC00, v8  }
0x4c: {  	v9 =	vadd.s32 v9, v14;
	v14 =	vor.u32 v3, v8;
	v19 =	vcvt.f32.s32 v13  }
0x4d: {  	v4 =	vtrunc.f32 v4;
	v17 =	vand.u32 $0xFFFFFC00, v9;
	v11 =	vmul.f32 $2.560000000e+02, v11  }
0x4e: {  	s25 =	simm.s32 $0x5830;
	v3 =	vcvt.f32.s32 v4;
	v4 =	vtrunc.f32 v15;
	v15 =	vor.u32 $0x80, v14  }
0x4f: {  	s26 =	simm.s32 $0x7580;
	[tilespmem:s25+$0x30] =	vst v14;
	v63 =	vshll.u32 v19, $0x3;
	v4 =	vcvt.f32.s32 v4;
	v11 =	vtrunc.f32 v11  }
0x50: {  	[tilespmem:s26+$0x30] =	vst v15;
	v15 =	vor.u32 v16, v17;
	v18 =	vmul.f32 $2.560000000e+02, v7;
	v7 =	vcvt.f32.s32 v6  }
0x51: {  	v8 =	vshll.u32 v3, $0xB;
	v3 =	vcvt.f32.s32 v12;
	v16 =	vor.u32 $0x80, v15  }
0x52: {  	v13 =	vor.u32 $0x100, v15;
	v6 =	vshll.u32 v4, $0x3;
	v4 =	vand.u32 $0x7F, v4  }
0x53: {  	v11 =	vcvt.f32.s32 v11;
	v5 =	vadd.s32 v6, v5;
	v9 =	vshll.u32 v7, $0x3  }
0x54: {  	[tilespmem:s25+$0x10] =	vst v15;
	v6 =	vcvt.f32.s32 v10;
	v10 =	vtrunc.f32 v18;
	v5 =	vand.u32 $0xFFFFFC00, v5  }
0x55: {  	[tilespmem:s26+$0x10] =	vst v16;
	v11 =	vshll.u32 v11, $0xB;
	v4 =	vor.u32 v4, v5;
	v5 =	vcvt.f32.s32 v10  }
0x56: {  	s28 =	simm.s32 $0x0;
	v10 =	vshll.u32 v6, $0xB;
	v6 =	vand.u32 $0x7F, v19;
	[tilespmem:s25+$0x0] =	vst v4;
	v12 =	vor.u32 $0x80, v4  }
0x57: {  	s29 =	simm.s32 $0xC0;
	s30 =	simm.s32 $0x1E10;
	s22 =	simm.s32 $0x92D0;
	v4 =	vor.u32 $0x100, v4;
	[tilespmem:s26+$0x0] =	vst v12;
	v12 =	vor.u32 $0x100, v14;
	v14 =	vshll.u32 v3, $0x3  }
0x58: {  	s31 =	simm.s32 $0x9350;
	s24 =	simm.s32 $0x5830;
	s23 =	simm.s32 $0x7580;
	v10 =	vadd.s32 v63, v10;
	[tilespmem:s22+$0x0] =	vst v4;
	v4 =	vshll.u32 v5, $0x3;
	v11 =	vadd.s32 v14, v11  }
.LBB2_2:
0x59: {  	v14 =	vld [tilespmem:s30+$0xFFFFFFC0];
	s28 =	sadd.s32 $0x8, s28;
	v8 =	vadd.s32 v9, v8;
	v7 =	vand.u32 $0x7F, v7;
	[tilespmem:s22+$0x10] =	vst v13;
	v1 =	vtrunc.f32 v1;
	s25 =	sadd.s32 $0x80, s25;
	s26 =	sadd.s32 $0x80, s26  }
0x5a: {  	v2 =	vcvt.f32.s32 v2;
	v9 =	vld [tilespmem:s30+$0x10];
	p0 =	slt.u32 s28, $0x1C8;
	v8 =	vand.u32 $0xFFFFFC00, v8;
	v1 =	vcvt.f32.s32 v1;
	[tilespmem:s22+$0x30] =	vst v12  }
0x5b: {  	v12 =	vld [tilespmem:s30+$0x30];
	v7 =	vor.u32 v7, v8;
	v8 =	vand.u32 $0xFFFFFC00, v11  }
0x5c: {  	v15 =	vshll.u32 v2, $0x3;
	v11 =	vld [tilespmem:s29+$0x30];
	[tilespmem:s24+$0xFFFFFFD0] =	vst v7;
	v13 =	vor.u32 $0x80, v7;
	v1 =	vshll.u32 v1, $0xB  }
0x5d: {  	v2 =	vand.u32 $0x7F, v2;
	v7 =	vor.u32 $0x100, v7;
	v16 =	vld [tilespmem:s30+$0x20];
	[tilespmem:s23+$0xFFFFFFD0] =	vst v13;
	v1 =	vadd.s32 v15, v1  }
0x5e: {  	v13 =	vmul.f32 $2.560000000e+02, v14;
	v14 =	vld [tilespmem:s29+$0x10];
	[tilespmem:s22+$0xFFFFFFD0] =	vst v7;
	v1 =	vand.u32 $0xFFFFFC00, v1  }
0x5f: {  	v5 =	vand.u32 $0x7F, v5;
	v10 =	vand.u32 $0xFFFFFC00, v10;
	v7 =	vld [tilespmem:s30+$0x0];
	v1 =	vor.u32 v2, v1  }
0x60: {  	v6 =	vor.u32 v6, v10;
	v2 =	vtrunc.f32 v13;
	v13 =	vld [tilespmem:s29+$0xFFFFFFD0];
	v12 =	vmul.f32 $2.560000000e+02, v12;
	[tilespmem:s24+$0x20] =	vst v1  }
0x61: {  	v15 =	vor.u32 $0x80, v1;
	v17 =	vor.u32 $0x100, v1;
	v10 =	vld [tilespmem:s30+$0xFFFFFFD0];
	v11 =	vmul.f32 $2.560000000e+02, v11  }
0x62: {  	v19 =	vor.u32 $0x80, v6;
	v18 =	vcvt.f32.s32 v2;
	v2 =	vld [tilespmem:s29+$0x20];
	v12 =	vtrunc.f32 v12;
	[tilespmem:s23+$0x20] =	vst v15  }
0x63: {  	v3 =	vand.u32 $0x7F, v3;
	v1 =	vmul.f32 $2.560000000e+02, v16;
	v15 =	vld [tilespmem:s30+$0xFFFFFFF0];
	v11 =	vtrunc.f32 v11;
	[tilespmem:s22+$0x20] =	vst v17  }
0x64: {  	v3 =	vor.u32 v3, v8;
	v16 =	vld [tilespmem:s29+$0xFFFFFFE0];
	v7 =	vmul.f32 $2.560000000e+02, v7;
	v11 =	vcvt.f32.s32 v11  }
0x65: {  	v14 =	vmul.f32 $2.560000000e+02, v14;
	v17 =	vor.u32 $0x80, v3;
	v8 =	vmul.f32 $2.560000000e+02, v13;
	v13 =	vld [tilespmem:s29+$0xFFFFFFF0]  }
0x66: {  	v21 =	vor.u32 $0x100, v3;
	v7 =	vtrunc.f32 v7;
	v20 =	vshll.u32 v11, $0x3  }
0x67: {  	v0 =	vadd.s32 v4, v0;
	v9 =	vmul.f32 $2.560000000e+02, v9;
	v2 =	vmul.f32 $2.560000000e+02, v2;
	[tilespmem:s24+$0xFFFFFFE0] =	vst v3  }
0x68: {  	v0 =	vand.u32 $0xFFFFFC00, v0;
	v4 =	vcvt.f32.s32 v12;
	v3 =	vtrunc.f32 v14;
	[tilespmem:s23+$0xFFFFFFE0] =	vst v17  }
0x69: {  	v0 =	vor.u32 v5, v0;
	v9 =	vtrunc.f32 v9;
	v11 =	vand.u32 $0x7F, v11;
	[tilespmem:s24+$0xFFFFFFF0] =	vst v6  }
0x6a: {  	v9 =	vcvt.f32.s32 v9;
	v12 =	vor.u32 $0x100, v0;
	v4 =	vshll.u32 v4, $0xB;
	v5 =	vld [tilespmem:s30+$0xFFFFFFE0];
	[tilespmem:s22+$0xFFFFFFE0] =	vst v21  }
0x6b: {  	v10 =	vmul.f32 $2.560000000e+02, v10;
	v2 =	vtrunc.f32 v2;
	v14 =	vld [tilespmem:s29+$0x0];
	[tilespmem:s24+$0xFFFFFFC0] =	vst v0;
	v0 =	vor.u32 $0x80, v0;
	s24 =	smov.u32 s25  }
0x6c: {  	v9 =	vshll.u32 v9, $0xB;
	v15 =	vmul.f32 $2.560000000e+02, v15;
	v13 =	vmul.f32 $2.560000000e+02, v13;
	[tilespmem:s23+$0xFFFFFFC0] =	vst v0  }
0x6d: {  	v4 =	vadd.s32 v20, v4;
	v3 =	vcvt.f32.s32 v3;
	v6 =	vor.u32 $0x100, v6;
	[tilespmem:s23+$0xFFFFFFF0] =	vst v19;
	s23 =	smov.u32 s26  }
0x6e: {  	v16 =	vmul.f32 $2.560000000e+02, v16;
	v0 =	vshll.u32 v18, $0xB;
	v13 =	vtrunc.f32 v13;
	[tilespmem:s22+$0xFFFFFFF0] =	vst v6  }
0x6f: {  	v17 =	vand.u32 $0x7F, v3;
	v6 =	vtrunc.f32 v10;
	v10 =	vshll.u32 v3, $0x3;
	[tilespmem:s22+$0xFFFFFFC0] =	vst v12;
	s22 =	smov.u32 s31  }
0x70: {  	v4 =	vand.u32 $0xFFFFFC00, v4;
	v12 =	vtrunc.f32 v15;
	v3 =	vld [tilespmem:s29+$0xFFFFFFC0];
	v14 =	vmul.f32 $2.560000000e+02, v14  }
0x71: {  	v8 =	vtrunc.f32 v8;
	v15 =	vtrunc.f32 v16;
	v9 =	vadd.s32 v10, v9  }
0x72: {  	v4 =	vor.u32 v11, v4;
	v5 =	vmul.f32 $2.560000000e+02, v5;
	v10 =	vcvt.f32.s32 v7  }
0x73: {  	v11 =	vor.u32 $0x80, v4;
	v6 =	vcvt.f32.s32 v6;
	v7 =	vtrunc.f32 v14;
	[tilespmem:s25+$0x30] =	vst v4  }
0x74: {  	v16 =	vand.u32 $0xFFFFFC00, v9;
	v5 =	vtrunc.f32 v5;
	v14 =	vcvt.f32.s32 v7;
	[tilespmem:s26+$0x30] =	vst v11  }
0x75: {  	v7 =	vcvt.f32.s32 v8;
	v8 =	vshll.u32 v6, $0xB;
	v11 =	vmul.f32 $2.560000000e+02, v3  }
0x76: {  	v6 =	vshll.u32 v10, $0xB;
	v3 =	vcvt.f32.s32 v15;
	v10 =	vshll.u32 v14, $0x3  }
0x77: {  	v9 =	vshll.u32 v7, $0x3;
	v15 =	vcvt.f32.s32 v13;
	v6 =	vadd.s32 v10, v6  }
0x78: {  	v10 =	vcvt.f32.s32 v12;
	v12 =	vand.u32 $0x7F, v14;
	v6 =	vand.u32 $0xFFFFFC00, v6  }
0x79: {  	v14 =	vor.u32 v17, v16;
	v11 =	vtrunc.f32 v11;
	v6 =	vor.u32 v12, v6  }
.Ltmp0:
0x7a: {  	v16 =	vcvt.f32.s32 v5;
	v12 =	vor.u32 $0x80, v6;
	v17 =	vor.u32 $0x100, v6;
	[tilespmem:s25+$0x0] =	vst v6;
	(pc) =	sbr.rel @p0 .LBB2_2-.Ltmp0, $4  }
0x7b: {  	v18 =	vor.u32 $0x80, v14;
	v13 =	vor.u32 $0x100, v14;
	v5 =	vcvt.f32.s32 v11;
	[tilespmem:s26+$0x0] =	vst v12  }
0x7c: {  	v10 =	vshll.u32 v10, $0xB;
	v6 =	vand.u32 $0x7F, v15;
	v12 =	vor.u32 $0x100, v4;
	[tilespmem:s31+$0x0] =	vst v17  }
0x7d: {  	s1 =	simm.s32 $0x0;
	v11 =	vshll.u32 v16, $0xB;
	v16 =	vshll.u32 v3, $0x3;
	v15 =	vshll.u32 v15, $0x3;
	[tilespmem:s25+$0x10] =	vst v14  }
0x7e: {  	s30 =	sadd.s32 $0x80, s30;
	s29 =	sadd.s32 $0x80, s29;
	v11 =	vadd.s32 v16, v11;
	v4 =	vshll.u32 v5, $0x3;
	v10 =	vadd.s32 v15, v10;
	s31 =	sadd.s32 $0x80, s31;
	[tilespmem:s26+$0x10] =	vst v18  }
0x7f: {  	v8 =	vadd.s32 v9, v8;
	[tilespmem:s22+$0x10] =	vst v13;
	v55 =	vand.u32 $0xFFFFFC00, v11;
	v56 =	vand.u32 $0x7F, v3  }
0x80: {  	v7 =	vand.u32 $0x7F, v7;
	[tilespmem:s22+$0x30] =	vst v12;
	v8 =	vand.u32 $0xFFFFFC00, v8;
	v57 =	vor.u32 v56, v55  }
0x81: {  	v1 =	vtrunc.f32 v1;
	v0 =	vadd.s32 v4, v0;
	v7 =	vor.u32 v7, v8;
	[tilespmem:s24+$0xFFFFFFE0] =	vst v57  }
0x82: {  	v60 =	vand.u32 $0x7F, v5;
	v0 =	vand.u32 $0xFFFFFC00, v0;
	v59 =	vor.u32 $0x80, v57;
	[tilespmem:s24+$0xFFFFFFD0] =	vst v7  }
0x83: {  	v2 =	vcvt.f32.s32 v2;
	v1 =	vcvt.f32.s32 v1;
	v0 =	vor.u32 v60, v0;
	[tilespmem:s23+$0xFFFFFFE0] =	vst v59  }
0x84: {  	v54 =	vor.u32 $0x80, v7;
	[tilespmem:s24+$0xFFFFFFC0] =	vst v0  }
0x85: {  	v53 =	vshll.u32 v2, $0x3;
	v1 =	vshll.u32 v1, $0xB;
	v61 =	vor.u32 $0x80, v0;
	[tilespmem:s23+$0xFFFFFFD0] =	vst v54  }
0x86: {  	v7 =	vor.u32 $0x100, v7;
	v1 =	vadd.s32 v53, v1;
	[tilespmem:s23+$0xFFFFFFC0] =	vst v61  }
0x87: {  	v2 =	vand.u32 $0x7F, v2;
	v0 =	vor.u32 $0x100, v0;
	v1 =	vand.u32 $0xFFFFFC00, v1;
	[tilespmem:s22+$0xFFFFFFD0] =	vst v7  }
0x88: {  	[tilespmem:s22+$0xFFFFFFC0] =	vst v0;
	v1 =	vor.u32 v2, v1  }
0x89: {  	[tilespmem:s24+$0x20] =	vst v1;
	v2 =	vor.u32 $0x80, v1  }
0x8a: {  	v58 =	vand.u32 $0xFFFFFC00, v10;
	v1 =	vor.u32 $0x100, v1;
	[tilespmem:s23+$0x20] =	vst v2  }
0x8b: {  	v2 =	vor.u32 v6, v58;
	[tilespmem:s22+$0x20] =	vst v1  }
0x8c: {  	v1 =	vor.u32 $0x100, v57;
	[tilespmem:s24+$0xFFFFFFF0] =	vst v2  }
0x8d: {  	v62 =	vor.u32 $0x80, v2;
	[tilespmem:s22+$0xFFFFFFE0] =	vst v1  }
0x8e: {  	v63 =	vor.u32 $0x100, v2;
	[tilespmem:s23+$0xFFFFFFF0] =	vst v62  }
0x8f: {  	[tilespmem:s22+$0xFFFFFFF0] =	vst v63  }
.LBB2_4:
0x90: {  	s22 =	sshra.s32 s1, $0x2  }
0x91: {  	v0 =	vld [tilespmem:s22+$0x1D00]  }
0x92: {  	v1 =	vld [tilespmem:s22+$0x3A50];
	_ =	sdelay $0x4  }
0x93: {  	v0 =	vmul.f32 $2.560000000e+02, v0;
	v1 =	vmul.f32 $2.560000000e+02, v1;
	_ =	sdelay $0x1  }
0x94: {  	v0 =	vtrunc.f32 v0;
	v1 =	vtrunc.f32 v1  }
0x95: {  	v0 =	vcvt.f32.s32 v0;
	v1 =	vcvt.f32.s32 v1;
	_ =	sdelay $0x1  }
0x96: {  	v1 =	vshll.u32 v1, $0xB;
	v2 =	vshll.u32 v0, $0x3  }
0x97: {  	p0 =	sne.s32 s1, $0x100;
	v1 =	vadd.s32 v2, v1  }
.Ltmp1:
0x98: {  	v0 =	vand.u32 $0x7F, v0;
	v1 =	vand.u32 $0xFFFFFC00, v1;
	(pc) =	sbr.rel @p0 .LBB2_4-.Ltmp1, $4  }
0x99: {  	v0 =	vor.u32 v0, v1  }
0x9a: {  	[tilespmem:s22+$0x74F0] =	vst v0;
	v1 =	vor.u32 $0x80, v0  }
0x9b: {  	v0 =	vor.u32 $0x100, v0;
	[tilespmem:s22+$0x9240] =	vst v1  }
0x9c: {  	s1 =	sadd.s32 $0x40, s1;
	[tilespmem:s22+$0xAF90] =	vst v0  }
0x9d: {  	[spmem:s2] =	stream.indirect.scatter.add.f32 [tilespmem:s3], [sflag:$0x1], $0x1, s18, s10, $0xb8;
	[tilespmem:$0x12FE0] =	vst v63  }
0x9e: {  	_ = 	snop  }
0x9f: {  	[spmem:s2] =	stream.indirect.scatter.add.f32 [tilespmem:s10], [sflag:$0x2], $0x1, s19, s10, $0xb8;
	[tilespmem:$0x12FE0] =	vst v63  }
0xa0: {  	_ = 	snop  }
0xa1: {  	[spmem:s2] =	stream.indirect.scatter.add.f32 [tilespmem:s11], [sflag:$0x3], $0x1, s20, s10, $0xb8;
	[tilespmem:$0x12FE0] =	vst v63  }
0xa2: {  	_ =	swait.ge [sflag:s12], $0x1D50  }
0xa3: {  	[sflag:s12] =	ssyncset.done $0x0  }
0xa4: {  	[sflag:s12] =	ssyncadd.s32 $0xFFFFE2B0  }
0xa5: {  	_ =	swait.ge [sflag:s13], $0x1D50  }
0xa6: {  	[sflag:s13] =	ssyncset.done $0x0  }
0xa7: {  	[sflag:s13] =	ssyncadd.s32 $0xFFFFE2B0  }
0xa8: {  	_ =	swait.ge [sflag:s14], $0x1D50  }
0xa9: {  	s21 =	sadd.s32 $0x1, s21;
	[sflag:s14] =	ssyncset.done $0x0  }
0xaa: {  	p0 =	sne.s32 s21, s9;
	[sflag:s14] =	ssyncadd.s32 $0xFFFFE2B0  }
.Ltmp2:
0xab: {  	[bflag:$0x0] =	sbarrier.arrive $0xFFFF;
	(pc) =	sbr.rel @p0 .LBB2_1-.Ltmp2, $4  }
0xac: {  	[hbm:s8], [sflag:s15] =	dma.local [spmem:s16], $0x1000  }
0xad: {  	_ =	swait.ge [sflag:s17], $0x1000  }
0xae: {  	[sflag:s17] =	ssyncset.done $0x0  }
0xaf: {  	[sflag:s17] =	ssyncadd.s32 $0xFFFFF000  }
0xb0: {  	_ =	sfence.sel $0x180000  }
0xb1: {  	[bflag:$0x0] =	sbarrier.arrive $0xFFFF  }
0xb2: {  	_ =	strace $0x90000047  }
0xb3: {  	[bflag:$0x2] =	sbarrier.arrive $0xFFFF  }
0xb4: {  	p0 =	sne.s32 s0, $0x0;
	s0 =	rddreg [dreg:$0x3]  }
0xb5: {  	s0 =	sadd.s32 @!p0 $0x100000, s0  }
0xb6: {  	[sflag:s0] =	ssyncadd.tile.s32 @!p0 $0x1;
	_ =	shalt  }
.Lfunc_end2:
_tile_overlayer_lowered:
.L_overlay_start_2:
0xb7: {  	(tag) =	ssettag $0x2  }
0xb8: {  	s0 =	rddreg [dreg:$0x0];
	s2 =	stileid.u32  }
0xb9: {  	s1 =	rddreg [dreg:$0x1];
	p0 =	sne.s32 s2, $0x0  }
0xba: {  	s3 =	rddreg [dreg:$0x2];
	[bflag:$0x3] =	sbarrier.arrive $0xFFFF;
	s2 =	simm.s32 @!p0 $0x1C04  }
0xbb: {  	[timem:s3], [sflag:s2] =	dma.local @!p0 [hbm:s0], s1  }
0xbc: {  	s0 =	simm.s32 @!p0 $0x4  }
0xbd: {  	_ =	swait.ge @!p0 [sflag:s0], s1  }
0xbe: {  	s1 =	ssub.s32 @!p0 $0x0, s1;
	[sflag:s0] =	ssyncset.done @!p0 $0x0  }
0xbf: {  	[sflag:s0] =	ssyncadd.s32 @!p0 s1  }
0xc0: {  	[bflag:$0x3] =	sbarrier.arrive $0xFFFF  }
0xc1: {  	_ =	shalt  }

</sc_bundles>
